<compile_context>
chip_gen: v7x
topology: tpu7x:2x2x1
jax: 0.10.2.dev20260603
libtpu: 0.0.44.dev20260713+nightly
codegen_flags: <defaults>
</compile_context>

<pallas_src>
import functools

import jax
import jax.numpy as jnp
from jax import lax
from jax.experimental import pallas as pl
from jax.experimental.pallas import tpu as pltpu
from jax.experimental.pallas import tpu_sc as plsc

N_NODES = 10000
N_EDGES = 320000
D_FEAT = 128

NUM_WORKERS = 32
E_PER_W = N_EDGES // NUM_WORKERS
SUPER = 128
NG = 1
NSUP = E_PER_W // SUPER
REM = E_PER_W - NSUP * SUPER
STAGE_BLK = 128
NBLK = N_NODES // STAGE_BLK
STAGE_REM = N_NODES - NBLK * STAGE_BLK


def _gather_kernel(x_hbm, src_hbm, out_hbm,
                   x_sh, idx_all, rows0, rows1,
                   gsem0, gsem1, ssem0, ssem1):
    cid = lax.axis_index("c")
    sid = lax.axis_index("s")
    wid = sid * 2 + cid
    base = wid * E_PER_W

    pltpu.sync_copy(src_hbm.at[pl.ds(pl.multiple_of(base, 8), E_PER_W)],
                    idx_all)

    KMAX = NBLK // 16 + 1
    bufs = (rows0, rows1)
    sems = (gsem0, gsem1)

    @pl.when(sid < NBLK)
    def _():
        pltpu.async_copy(
            x_hbm.at[pl.ds(pl.multiple_of(sid * STAGE_BLK, 8), STAGE_BLK)],
            rows0.at[pl.ds(0, STAGE_BLK)], gsem0)

    for k in range(KMAX):
        b = k * 16 + sid
        buf_c, sem_c = bufs[k % 2], sems[k % 2]
        buf_n, sem_n = bufs[(k + 1) % 2], sems[(k + 1) % 2]

        @pl.when(b < NBLK)
        def _():
            pltpu.make_async_copy(
                x_hbm.at[pl.ds(0, STAGE_BLK)],
                buf_c.at[pl.ds(0, STAGE_BLK)], sem_c).wait()
            if k + 1 < KMAX:
                bn = (k + 1) * 16 + sid

                @pl.when(bn < NBLK)
                def _():
                    pltpu.async_copy(
                        x_hbm.at[pl.ds(pl.multiple_of(bn * STAGE_BLK, 8),
                                       STAGE_BLK)],
                        buf_n.at[pl.ds(0, STAGE_BLK)], sem_n)

            pltpu.sync_copy(
                buf_c.at[pl.ds(0, STAGE_BLK)],
                x_sh.at[pl.ds(pl.multiple_of(b * STAGE_BLK, 8),
                              STAGE_BLK)])

    @pl.when(sid == 0)
    def _():
        r0 = pl.multiple_of(NBLK * STAGE_BLK, 8)
        pltpu.sync_copy(x_hbm.at[pl.ds(r0, STAGE_REM)],
                        rows0.at[pl.ds(0, STAGE_REM)])
        pltpu.sync_copy(rows0.at[pl.ds(0, STAGE_REM)],
                        x_sh.at[pl.ds(r0, STAGE_REM)])

    plsc.subcore_barrier()

    HG = SUPER // NG

    def issue(i, rowsb, gsem):
        for j in range(NG):
            pltpu.async_copy(
                x_sh.at[idx_all.at[pl.ds(i * SUPER + j * HG, HG)]],
                rowsb.at[pl.ds(j * HG, HG)],
                gsem,
            )

    def drain_gather(rowsb, gsem):
        for j in range(NG):
            pltpu.make_async_copy(
                x_hbm.at[pl.ds(0, HG)], rowsb.at[pl.ds(j * HG, HG)], gsem
            ).wait()

    def wait_store(rowsb, ssem):
        pltpu.make_async_copy(rowsb, out_hbm.at[pl.ds(0, SUPER)], ssem).wait()

    def step(i, rows_c, gsem_c, ssem_c, rows_n, gsem_n, ssem_n):
        @pl.when(i + 1 < NSUP)
        def _():
            @pl.when(i >= 1)
            def _():
                wait_store(rows_n, ssem_n)
            issue(i + 1, rows_n, gsem_n)

        drain_gather(rows_c, gsem_c)
        off = pl.multiple_of(base + i * SUPER, 8)
        pltpu.async_copy(rows_c, out_hbm.at[pl.ds(off, SUPER)], ssem_c)

    issue(0, rows0, gsem0)

    def body(i, carry):
        @pl.when(i % 2 == 0)
        def _():
            step(i, rows0, gsem0, ssem0, rows1, gsem1, ssem1)

        @pl.when(i % 2 == 1)
        def _():
            step(i, rows1, gsem1, ssem1, rows0, gsem0, ssem0)

        return carry

    lax.fori_loop(0, NSUP, body, 0)

    wait_store(rows0, ssem0)
    rem_off = pl.multiple_of(base + NSUP * SUPER, 8)
    pltpu.async_copy(
        x_sh.at[idx_all.at[pl.ds(NSUP * SUPER, REM)]],
        rows0.at[pl.ds(0, REM)],
        gsem0,
    )
    wait_store(rows1, ssem1)
    pltpu.make_async_copy(
        x_hbm.at[pl.ds(0, REM)], rows0.at[pl.ds(0, REM)], gsem0
    ).wait()
    pltpu.sync_copy(rows0.at[pl.ds(0, REM)], out_hbm.at[pl.ds(rem_off, REM)])


def kernel(x, edge_index):
    src = edge_index.reshape(2 * N_EDGES)
    mesh = plsc.VectorSubcoreMesh(core_axis_name="c", subcore_axis_name="s")
    run = functools.partial(
        pl.kernel,
        out_type=jax.ShapeDtypeStruct((N_EDGES, D_FEAT), jnp.float32),
        mesh=mesh,
        scratch_types=[
            pltpu.VMEM_SHARED((N_NODES, D_FEAT), jnp.float32),
            pltpu.VMEM((E_PER_W,), jnp.int32),
            pltpu.VMEM((SUPER, D_FEAT), jnp.float32),
            pltpu.VMEM((SUPER, D_FEAT), jnp.float32),
            pltpu.SemaphoreType.DMA,
            pltpu.SemaphoreType.DMA,
            pltpu.SemaphoreType.DMA,
            pltpu.SemaphoreType.DMA,
        ],
    )(_gather_kernel)
    return run(x, src)

# --- scband reference (transcript-rebuilt; emitter-appended) ---
"""Pipeline reference for scband-edge-passing-45337674776741 (READ-ONLY COPY).

The authoritative reference and input builder live on the scoring server;
editing this copy changes nothing except your own understanding.
"""

import jax, jax.numpy as jnp
import numpy as np

N_NODES = 10000
N_EDGES = 320000
D_FEAT = 128


def setup_inputs(seed: int = 0) -> dict:
    key = jax.random.key(seed)
    k1, k2 = jax.random.split(key)
    x = jax.random.normal(k1, (N_NODES, D_FEAT), dtype=jnp.float32)
    edge_index = jax.random.randint(k2, (2, N_EDGES), 0, N_NODES, dtype=jnp.int32)
    return {"x": x, "edge_index": edge_index}


def reference(x, edge_index):
    # DGL edge UDF: dif = edges.src['features']; return {'feature_n': dif}
    # i.e. for every edge, gather the source node's feature vector.
    src = edge_index[0]
    feature_n = jnp.take(x, src, axis=0)  # [E, d_feat]
    return feature_n

if __name__ == "__main__":
    import jax
    _d = setup_inputs()
    print(jax.jit(kernel)(*tuple(_d.values())))

</pallas_src>

<mosaic_0001>
#map = affine_map<(d0, d1) -> (0, 0)>
#map1 = affine_map<(d0, d1) -> (0)>
module attributes {stable_mosaic.version = 14 : i64} {
  func.func @_gather_kernel(%arg0: i32, %arg1: i32, %arg2: memref<10000x128xf32, #tpu.memory_space<hbm>>, %arg3: memref<640000xi32, #tpu.memory_space<hbm>>, %arg4: memref<320000x128xf32, #tpu.memory_space<hbm>>, %arg5: memref<10000x128xf32, #tpu.memory_space<vmem_shared>>, %arg6: memref<10000xi32, #tpu.memory_space<vmem>>, %arg7: memref<128x128xf32, #tpu.memory_space<vmem>>, %arg8: memref<128x128xf32, #tpu.memory_space<vmem>>, %arg9: memref<!tpu.dma_semaphore, #tpu.memory_space<semaphore_mem>>, %arg10: memref<!tpu.dma_semaphore, #tpu.memory_space<semaphore_mem>>, %arg11: memref<!tpu.dma_semaphore, #tpu.memory_space<semaphore_mem>>, %arg12: memref<!tpu.dma_semaphore, #tpu.memory_space<semaphore_mem>>) attributes {dimension_semantics = [#tpu.dimension_semantics<core_parallel>, #tpu.dimension_semantics<subcore_parallel>], iteration_bounds = array<i64: 2, 16>, scalar_prefetch = 0 : i64, scratch_operands = 8 : i64, tpu.core_type = #tpu.core_type<sc_vector_subcore>, window_params = [{transform_indices = #map}, {transform_indices = #map1}, {transform_indices = #map}]} {
    %mul3A = arith.constant 2 : i32
    %mul3A_0 = arith.muli %arg1, %mul3A : i32
    %add3A = arith.addi %mul3A_0, %arg0 : i32
    %mul3A_1 = arith.constant 10000 : i32
    %mul3A_2 = arith.muli %add3A, %mul3A_1 : i32
    %multiple_of3A = tpu.assume_multiple %mul3A_2, 8 : i32
    "tpu.region"() ({
      %run_scoped3A = tpu.sem_alloc : memref<!tpu.dma_semaphore, #tpu.memory_space<semaphore_mem>>
      %dma_start3A_90 = tpu.memref_slice %arg3[%multiple_of3A] : memref<640000xi32, #tpu.memory_space<hbm>> -> memref<10000xi32, #tpu.memory_space<hbm>>
      %dma_start3A_91 = tpu.memref_slice %arg3[%multiple_of3A] : memref<640000xi32, #tpu.memory_space<hbm>> -> memref<10000xi32, #tpu.memory_space<hbm>>
      tpu.enqueue_dma source(%dma_start3A_91 : memref<10000xi32, #tpu.memory_space<hbm>>) target(%arg6 : memref<10000xi32, #tpu.memory_space<vmem>>) target_semaphore(%run_scoped3A : memref<!tpu.dma_semaphore, #tpu.memory_space<semaphore_mem>>)
      %dma_wait3A_92 = tpu.memref_slice %arg3[%multiple_of3A] : memref<640000xi32, #tpu.memory_space<hbm>> -> memref<10000xi32, #tpu.memory_space<hbm>>
      %dma_wait3A_93 = tpu.memref_slice %arg3[%multiple_of3A] : memref<640000xi32, #tpu.memory_space<hbm>> -> memref<10000xi32, #tpu.memory_space<hbm>>
      tpu.wait_dma2 semaphore(%run_scoped3A : memref<!tpu.dma_semaphore, #tpu.memory_space<semaphore_mem>>) src(%dma_wait3A_93 : memref<10000xi32, #tpu.memory_space<hbm>>) dst(%arg6 : memref<10000xi32, #tpu.memory_space<vmem>>)
      tpu.yield
    }) : () -> ()
    %lt3A = arith.constant 78 : i32
    %lt3A_3 = arith.cmpi slt, %arg1, %lt3A : i32
    %convert_element_type3A = arith.extui %lt3A_3 : i1 to i32
    %cond3A = arith.constant 0 : i32
    %cond3A_4 = arith.cmpi ne, %convert_element_type3A, %cond3A : i32
    scf.if %cond3A_4 {
      %mul3A_90 = arith.constant 128 : i32
      %mul3A_91 = arith.muli %arg1, %mul3A_90 : i32
      %multiple_of3A_92 = tpu.assume_multiple %mul3A_91, 8 : i32
      %dma_start3A_93 = arith.constant 0 : i32
      %dma_start3A_94 = arith.constant 0 : i32
      %dma_start3A_95 = tpu.memref_slice %arg7[%dma_start3A_93, %dma_start3A_94] : memref<128x128xf32, #tpu.memory_space<vmem>> -> memref<128x128xf32, #tpu.memory_space<vmem>>
      %dma_start3A_96 = arith.constant 0 : i32
      %dma_start3A_97 = tpu.memref_slice %arg2[%multiple_of3A_92, %dma_start3A_96] : memref<10000x128xf32, #tpu.memory_space<hbm>> -> memref<128x128xf32, #tpu.memory_space<hbm>>
      %dma_start3A_98 = arith.constant 0 : i32
      %dma_start3A_99 = arith.constant 0 : i32
      %dma_start3A_100 = tpu.memref_slice %arg7[%dma_start3A_98, %dma_start3A_99] : memref<128x128xf32, #tpu.memory_space<vmem>> -> memref<128x128xf32, #tpu.memory_space<vmem>>
      %dma_start3A_101 = arith.constant 0 : i32
      %dma_start3A_102 = tpu.memref_slice %arg2[%multiple_of3A_92, %dma_start3A_101] : memref<10000x128xf32, #tpu.memory_space<hbm>> -> memref<128x128xf32, #tpu.memory_space<hbm>>
      tpu.enqueue_dma source(%dma_start3A_102 : memref<128x128xf32, #tpu.memory_space<hbm>>) target(%dma_start3A_100 : memref<128x128xf32, #tpu.memory_space<vmem>>) target_semaphore(%arg9 : memref<!tpu.dma_semaphore, #tpu.memory_space<semaphore_mem>>)
    } else {
    }
    %add3A_5 = arith.constant 0 : i32
    %add3A_6 = arith.addi %add3A_5, %arg1 : i32
    %lt3A_7 = arith.constant 78 : i32
    %lt3A_8 = arith.cmpi slt, %add3A_6, %lt3A_7 : i32
    %convert_element_type3A_9 = arith.extui %lt3A_8 : i1 to i32
    %cond3A_10 = arith.constant 0 : i32
    %cond3A_11 = arith.cmpi ne, %convert_element_type3A_9, %cond3A_10 : i32
    scf.if %cond3A_11 {
      %dma_wait3A_90 = arith.constant 0 : i32
      %dma_wait3A_91 = arith.constant 0 : i32
      %dma_wait3A_92 = tpu.memref_slice %arg7[%dma_wait3A_90, %dma_wait3A_91] : memref<128x128xf32, #tpu.memory_space<vmem>> -> memref<128x128xf32, #tpu.memory_space<vmem>>
      %dma_wait3A_93 = arith.constant 0 : i32
      %dma_wait3A_94 = arith.constant 0 : i32
      %dma_wait3A_95 = tpu.memref_slice %arg2[%dma_wait3A_93, %dma_wait3A_94] : memref<10000x128xf32, #tpu.memory_space<hbm>> -> memref<128x128xf32, #tpu.memory_space<hbm>>
      %dma_wait3A_96 = arith.constant 0 : i32
      %dma_wait3A_97 = arith.constant 0 : i32
      %dma_wait3A_98 = tpu.memref_slice %arg7[%dma_wait3A_96, %dma_wait3A_97] : memref<128x128xf32, #tpu.memory_space<vmem>> -> memref<128x128xf32, #tpu.memory_space<vmem>>
      %dma_wait3A_99 = arith.constant 0 : i32
      %dma_wait3A_100 = arith.constant 0 : i32
      %dma_wait3A_101 = tpu.memref_slice %arg2[%dma_wait3A_99, %dma_wait3A_100] : memref<10000x128xf32, #tpu.memory_space<hbm>> -> memref<128x128xf32, #tpu.memory_space<hbm>>
      tpu.wait_dma2 semaphore(%arg9 : memref<!tpu.dma_semaphore, #tpu.memory_space<semaphore_mem>>) src(%dma_wait3A_101 : memref<128x128xf32, #tpu.memory_space<hbm>>) dst(%dma_wait3A_98 : memref<128x128xf32, #tpu.memory_space<vmem>>)
      %add3A_102 = arith.constant 16 : i32
      %add3A_103 = arith.addi %add3A_102, %arg1 : i32
      %lt3A_104 = arith.constant 78 : i32
      %lt3A_105 = arith.cmpi slt, %add3A_103, %lt3A_104 : i32
      %convert_element_type3A_106 = arith.extui %lt3A_105 : i1 to i32
      %cond3A_107 = arith.constant 0 : i32
      %cond3A_108 = arith.cmpi ne, %convert_element_type3A_106, %cond3A_107 : i32
      scf.if %cond3A_108 {
        %mul3A_112 = arith.constant 128 : i32
        %mul3A_113 = arith.muli %add3A_103, %mul3A_112 : i32
        %multiple_of3A_114 = tpu.assume_multiple %mul3A_113, 8 : i32
        %dma_start3A_115 = arith.constant 0 : i32
        %dma_start3A_116 = arith.constant 0 : i32
        %dma_start3A_117 = tpu.memref_slice %arg8[%dma_start3A_115, %dma_start3A_116] : memref<128x128xf32, #tpu.memory_space<vmem>> -> memref<128x128xf32, #tpu.memory_space<vmem>>
        %dma_start3A_118 = arith.constant 0 : i32
        %dma_start3A_119 = tpu.memref_slice %arg2[%multiple_of3A_114, %dma_start3A_118] : memref<10000x128xf32, #tpu.memory_space<hbm>> -> memref<128x128xf32, #tpu.memory_space<hbm>>
        %dma_start3A_120 = arith.constant 0 : i32
        %dma_start3A_121 = arith.constant 0 : i32
        %dma_start3A_122 = tpu.memref_slice %arg8[%dma_start3A_120, %dma_start3A_121] : memref<128x128xf32, #tpu.memory_space<vmem>> -> memref<128x128xf32, #tpu.memory_space<vmem>>
        %dma_start3A_123 = arith.constant 0 : i32
        %dma_start3A_124 = tpu.memref_slice %arg2[%multiple_of3A_114, %dma_start3A_123] : memref<10000x128xf32, #tpu.memory_space<hbm>> -> memref<128x128xf32, #tpu.memory_space<hbm>>
        tpu.enqueue_dma source(%dma_start3A_124 : memref<128x128xf32, #tpu.memory_space<hbm>>) target(%dma_start3A_122 : memref<128x128xf32, #tpu.memory_space<vmem>>) target_semaphore(%arg10 : memref<!tpu.dma_semaphore, #tpu.memory_space<semaphore_mem>>)
      } else {
      }
      %mul3A_109 = arith.constant 128 : i32
      %mul3A_110 = arith.muli %add3A_6, %mul3A_109 : i32
      %multiple_of3A_111 = tpu.assume_multiple %mul3A_110, 8 : i32
      "tpu.region"() ({
        %run_scoped3A = tpu.sem_alloc : memref<!tpu.dma_semaphore, #tpu.memory_space<semaphore_mem>>
        %dma_start3A_112 = arith.constant 0 : i32
        %dma_start3A_113 = arith.constant 0 : i32
        %dma_start3A_114 = tpu.memref_slice %arg7[%dma_start3A_112, %dma_start3A_113] : memref<128x128xf32, #tpu.memory_space<vmem>> -> memref<128x128xf32, #tpu.memory_space<vmem>>
        %dma_start3A_115 = arith.constant 0 : i32
        %dma_start3A_116 = tpu.memref_slice %arg5[%multiple_of3A_111, %dma_start3A_115] : memref<10000x128xf32, #tpu.memory_space<vmem_shared>> -> memref<128x128xf32, #tpu.memory_space<vmem_shared>>
        %dma_start3A_117 = arith.constant 0 : i32
        %dma_start3A_118 = tpu.memref_slice %arg5[%multiple_of3A_111, %dma_start3A_117] : memref<10000x128xf32, #tpu.memory_space<vmem_shared>> -> memref<128x128xf32, #tpu.memory_space<vmem_shared>>
        %dma_start3A_119 = arith.constant 0 : i32
        %dma_start3A_120 = arith.constant 0 : i32
        %dma_start3A_121 = tpu.memref_slice %arg7[%dma_start3A_119, %dma_start3A_120] : memref<128x128xf32, #tpu.memory_space<vmem>> -> memref<128x128xf32, #tpu.memory_space<vmem>>
        tpu.enqueue_dma source(%dma_start3A_121 : memref<128x128xf32, #tpu.memory_space<vmem>>) target(%dma_start3A_118 : memref<128x128xf32, #tpu.memory_space<vmem_shared>>) target_semaphore(%run_scoped3A : memref<!tpu.dma_semaphore, #tpu.memory_space<semaphore_mem>>)
        %dma_wait3A_122 = arith.constant 0 : i32
        %dma_wait3A_123 = arith.constant 0 : i32
        %dma_wait3A_124 = tpu.memref_slice %arg7[%dma_wait3A_122, %dma_wait3A_123] : memref<128x128xf32, #tpu.memory_space<vmem>> -> memref<128x128xf32, #tpu.memory_space<vmem>>
        %dma_wait3A_125 = arith.constant 0 : i32
        %dma_wait3A_126 = tpu.memref_slice %arg5[%multiple_of3A_111, %dma_wait3A_125] : memref<10000x128xf32, #tpu.memory_space<vmem_shared>> -> memref<128x128xf32, #tpu.memory_space<vmem_shared>>
        %dma_wait3A_127 = arith.constant 0 : i32
        %dma_wait3A_128 = tpu.memref_slice %arg5[%multiple_of3A_111, %dma_wait3A_127] : memref<10000x128xf32, #tpu.memory_space<vmem_shared>> -> memref<128x128xf32, #tpu.memory_space<vmem_shared>>
        %dma_wait3A_129 = arith.constant 0 : i32
        %dma_wait3A_130 = arith.constant 0 : i32
        %dma_wait3A_131 = tpu.memref_slice %arg7[%dma_wait3A_129, %dma_wait3A_130] : memref<128x128xf32, #tpu.memory_space<vmem>> -> memref<128x128xf32, #tpu.memory_space<vmem>>
        tpu.wait_dma2 semaphore(%run_scoped3A : memref<!tpu.dma_semaphore, #tpu.memory_space<semaphore_mem>>) src(%dma_wait3A_131 : memref<128x128xf32, #tpu.memory_space<vmem>>) dst(%dma_wait3A_128 : memref<128x128xf32, #tpu.memory_space<vmem_shared>>)
        tpu.yield
      }) : () -> ()
    } else {
    }
    %add3A_12 = arith.constant 16 : i32
    %add3A_13 = arith.addi %add3A_12, %arg1 : i32
    %lt3A_14 = arith.constant 78 : i32
    %lt3A_15 = arith.cmpi slt, %add3A_13, %lt3A_14 : i32
    %convert_element_type3A_16 = arith.extui %lt3A_15 : i1 to i32
    %cond3A_17 = arith.constant 0 : i32
    %cond3A_18 = arith.cmpi ne, %convert_element_type3A_16, %cond3A_17 : i32
    scf.if %cond3A_18 {
      %dma_wait3A_90 = arith.constant 0 : i32
      %dma_wait3A_91 = arith.constant 0 : i32
      %dma_wait3A_92 = tpu.memref_slice %arg8[%dma_wait3A_90, %dma_wait3A_91] : memref<128x128xf32, #tpu.memory_space<vmem>> -> memref<128x128xf32, #tpu.memory_space<vmem>>
      %dma_wait3A_93 = arith.constant 0 : i32
      %dma_wait3A_94 = arith.constant 0 : i32
      %dma_wait3A_95 = tpu.memref_slice %arg2[%dma_wait3A_93, %dma_wait3A_94] : memref<10000x128xf32, #tpu.memory_space<hbm>> -> memref<128x128xf32, #tpu.memory_space<hbm>>
      %dma_wait3A_96 = arith.constant 0 : i32
      %dma_wait3A_97 = arith.constant 0 : i32
      %dma_wait3A_98 = tpu.memref_slice %arg8[%dma_wait3A_96, %dma_wait3A_97] : memref<128x128xf32, #tpu.memory_space<vmem>> -> memref<128x128xf32, #tpu.memory_space<vmem>>
      %dma_wait3A_99 = arith.constant 0 : i32
      %dma_wait3A_100 = arith.constant 0 : i32
      %dma_wait3A_101 = tpu.memref_slice %arg2[%dma_wait3A_99, %dma_wait3A_100] : memref<10000x128xf32, #tpu.memory_space<hbm>> -> memref<128x128xf32, #tpu.memory_space<hbm>>
      tpu.wait_dma2 semaphore(%arg10 : memref<!tpu.dma_semaphore, #tpu.memory_space<semaphore_mem>>) src(%dma_wait3A_101 : memref<128x128xf32, #tpu.memory_space<hbm>>) dst(%dma_wait3A_98 : memref<128x128xf32, #tpu.memory_space<vmem>>)
      %add3A_102 = arith.constant 32 : i32
      %add3A_103 = arith.addi %add3A_102, %arg1 : i32
      %lt3A_104 = arith.constant 78 : i32
      %lt3A_105 = arith.cmpi slt, %add3A_103, %lt3A_104 : i32
      %convert_element_type3A_106 = arith.extui %lt3A_105 : i1 to i32
      %cond3A_107 = arith.constant 0 : i32
      %cond3A_108 = arith.cmpi ne, %convert_element_type3A_106, %cond3A_107 : i32
      scf.if %cond3A_108 {
        %mul3A_112 = arith.constant 128 : i32
        %mul3A_113 = arith.muli %add3A_103, %mul3A_112 : i32
        %multiple_of3A_114 = tpu.assume_multiple %mul3A_113, 8 : i32
        %dma_start3A_115 = arith.constant 0 : i32
        %dma_start3A_116 = arith.constant 0 : i32
        %dma_start3A_117 = tpu.memref_slice %arg7[%dma_start3A_115, %dma_start3A_116] : memref<128x128xf32, #tpu.memory_space<vmem>> -> memref<128x128xf32, #tpu.memory_space<vmem>>
        %dma_start3A_118 = arith.constant 0 : i32
        %dma_start3A_119 = tpu.memref_slice %arg2[%multiple_of3A_114, %dma_start3A_118] : memref<10000x128xf32, #tpu.memory_space<hbm>> -> memref<128x128xf32, #tpu.memory_space<hbm>>
        %dma_start3A_120 = arith.constant 0 : i32
        %dma_start3A_121 = arith.constant 0 : i32
        %dma_start3A_122 = tpu.memref_slice %arg7[%dma_start3A_120, %dma_start3A_121] : memref<128x128xf32, #tpu.memory_space<vmem>> -> memref<128x128xf32, #tpu.memory_space<vmem>>
        %dma_start3A_123 = arith.constant 0 : i32
        %dma_start3A_124 = tpu.memref_slice %arg2[%multiple_of3A_114, %dma_start3A_123] : memref<10000x128xf32, #tpu.memory_space<hbm>> -> memref<128x128xf32, #tpu.memory_space<hbm>>
        tpu.enqueue_dma source(%dma_start3A_124 : memref<128x128xf32, #tpu.memory_space<hbm>>) target(%dma_start3A_122 : memref<128x128xf32, #tpu.memory_space<vmem>>) target_semaphore(%arg9 : memref<!tpu.dma_semaphore, #tpu.memory_space<semaphore_mem>>)
      } else {
      }
      %mul3A_109 = arith.constant 128 : i32
      %mul3A_110 = arith.muli %add3A_13, %mul3A_109 : i32
      %multiple_of3A_111 = tpu.assume_multiple %mul3A_110, 8 : i32
      "tpu.region"() ({
        %run_scoped3A = tpu.sem_alloc : memref<!tpu.dma_semaphore, #tpu.memory_space<semaphore_mem>>
        %dma_start3A_112 = arith.constant 0 : i32
        %dma_start3A_113 = arith.constant 0 : i32
        %dma_start3A_114 = tpu.memref_slice %arg8[%dma_start3A_112, %dma_start3A_113] : memref<128x128xf32, #tpu.memory_space<vmem>> -> memref<128x128xf32, #tpu.memory_space<vmem>>
        %dma_start3A_115 = arith.constant 0 : i32
        %dma_start3A_116 = tpu.memref_slice %arg5[%multiple_of3A_111, %dma_start3A_115] : memref<10000x128xf32, #tpu.memory_space<vmem_shared>> -> memref<128x128xf32, #tpu.memory_space<vmem_shared>>
        %dma_start3A_117 = arith.constant 0 : i32
        %dma_start3A_118 = tpu.memref_slice %arg5[%multiple_of3A_111, %dma_start3A_117] : memref<10000x128xf32, #tpu.memory_space<vmem_shared>> -> memref<128x128xf32, #tpu.memory_space<vmem_shared>>
        %dma_start3A_119 = arith.constant 0 : i32
        %dma_start3A_120 = arith.constant 0 : i32
        %dma_start3A_121 = tpu.memref_slice %arg8[%dma_start3A_119, %dma_start3A_120] : memref<128x128xf32, #tpu.memory_space<vmem>> -> memref<128x128xf32, #tpu.memory_space<vmem>>
        tpu.enqueue_dma source(%dma_start3A_121 : memref<128x128xf32, #tpu.memory_space<vmem>>) target(%dma_start3A_118 : memref<128x128xf32, #tpu.memory_space<vmem_shared>>) target_semaphore(%run_scoped3A : memref<!tpu.dma_semaphore, #tpu.memory_space<semaphore_mem>>)
        %dma_wait3A_122 = arith.constant 0 : i32
        %dma_wait3A_123 = arith.constant 0 : i32
        %dma_wait3A_124 = tpu.memref_slice %arg8[%dma_wait3A_122, %dma_wait3A_123] : memref<128x128xf32, #tpu.memory_space<vmem>> -> memref<128x128xf32, #tpu.memory_space<vmem>>
        %dma_wait3A_125 = arith.constant 0 : i32
        %dma_wait3A_126 = tpu.memref_slice %arg5[%multiple_of3A_111, %dma_wait3A_125] : memref<10000x128xf32, #tpu.memory_space<vmem_shared>> -> memref<128x128xf32, #tpu.memory_space<vmem_shared>>
        %dma_wait3A_127 = arith.constant 0 : i32
        %dma_wait3A_128 = tpu.memref_slice %arg5[%multiple_of3A_111, %dma_wait3A_127] : memref<10000x128xf32, #tpu.memory_space<vmem_shared>> -> memref<128x128xf32, #tpu.memory_space<vmem_shared>>
        %dma_wait3A_129 = arith.constant 0 : i32
        %dma_wait3A_130 = arith.constant 0 : i32
        %dma_wait3A_131 = tpu.memref_slice %arg8[%dma_wait3A_129, %dma_wait3A_130] : memref<128x128xf32, #tpu.memory_space<vmem>> -> memref<128x128xf32, #tpu.memory_space<vmem>>
        tpu.wait_dma2 semaphore(%run_scoped3A : memref<!tpu.dma_semaphore, #tpu.memory_space<semaphore_mem>>) src(%dma_wait3A_131 : memref<128x128xf32, #tpu.memory_space<vmem>>) dst(%dma_wait3A_128 : memref<128x128xf32, #tpu.memory_space<vmem_shared>>)
        tpu.yield
      }) : () -> ()
    } else {
    }
    %add3A_19 = arith.constant 32 : i32
    %add3A_20 = arith.addi %add3A_19, %arg1 : i32
    %lt3A_21 = arith.constant 78 : i32
    %lt3A_22 = arith.cmpi slt, %add3A_20, %lt3A_21 : i32
    %convert_element_type3A_23 = arith.extui %lt3A_22 : i1 to i32
    %cond3A_24 = arith.constant 0 : i32
    %cond3A_25 = arith.cmpi ne, %convert_element_type3A_23, %cond3A_24 : i32
    scf.if %cond3A_25 {
      %dma_wait3A_90 = arith.constant 0 : i32
      %dma_wait3A_91 = arith.constant 0 : i32
      %dma_wait3A_92 = tpu.memref_slice %arg7[%dma_wait3A_90, %dma_wait3A_91] : memref<128x128xf32, #tpu.memory_space<vmem>> -> memref<128x128xf32, #tpu.memory_space<vmem>>
      %dma_wait3A_93 = arith.constant 0 : i32
      %dma_wait3A_94 = arith.constant 0 : i32
      %dma_wait3A_95 = tpu.memref_slice %arg2[%dma_wait3A_93, %dma_wait3A_94] : memref<10000x128xf32, #tpu.memory_space<hbm>> -> memref<128x128xf32, #tpu.memory_space<hbm>>
      %dma_wait3A_96 = arith.constant 0 : i32
      %dma_wait3A_97 = arith.constant 0 : i32
      %dma_wait3A_98 = tpu.memref_slice %arg7[%dma_wait3A_96, %dma_wait3A_97] : memref<128x128xf32, #tpu.memory_space<vmem>> -> memref<128x128xf32, #tpu.memory_space<vmem>>
      %dma_wait3A_99 = arith.constant 0 : i32
      %dma_wait3A_100 = arith.constant 0 : i32
      %dma_wait3A_101 = tpu.memref_slice %arg2[%dma_wait3A_99, %dma_wait3A_100] : memref<10000x128xf32, #tpu.memory_space<hbm>> -> memref<128x128xf32, #tpu.memory_space<hbm>>
      tpu.wait_dma2 semaphore(%arg9 : memref<!tpu.dma_semaphore, #tpu.memory_space<semaphore_mem>>) src(%dma_wait3A_101 : memref<128x128xf32, #tpu.memory_space<hbm>>) dst(%dma_wait3A_98 : memref<128x128xf32, #tpu.memory_space<vmem>>)
      %add3A_102 = arith.constant 48 : i32
      %add3A_103 = arith.addi %add3A_102, %arg1 : i32
      %lt3A_104 = arith.constant 78 : i32
      %lt3A_105 = arith.cmpi slt, %add3A_103, %lt3A_104 : i32
      %convert_element_type3A_106 = arith.extui %lt3A_105 : i1 to i32
      %cond3A_107 = arith.constant 0 : i32
      %cond3A_108 = arith.cmpi ne, %convert_element_type3A_106, %cond3A_107 : i32
      scf.if %cond3A_108 {
        %mul3A_112 = arith.constant 128 : i32
        %mul3A_113 = arith.muli %add3A_103, %mul3A_112 : i32
        %multiple_of3A_114 = tpu.assume_multiple %mul3A_113, 8 : i32
        %dma_start3A_115 = arith.constant 0 : i32
        %dma_start3A_116 = arith.constant 0 : i32
        %dma_start3A_117 = tpu.memref_slice %arg8[%dma_start3A_115, %dma_start3A_116] : memref<128x128xf32, #tpu.memory_space<vmem>> -> memref<128x128xf32, #tpu.memory_space<vmem>>
        %dma_start3A_118 = arith.constant 0 : i32
        %dma_start3A_119 = tpu.memref_slice %arg2[%multiple_of3A_114, %dma_start3A_118] : memref<10000x128xf32, #tpu.memory_space<hbm>> -> memref<128x128xf32, #tpu.memory_space<hbm>>
        %dma_start3A_120 = arith.constant 0 : i32
        %dma_start3A_121 = arith.constant 0 : i32
        %dma_start3A_122 = tpu.memref_slice %arg8[%dma_start3A_120, %dma_start3A_121] : memref<128x128xf32, #tpu.memory_space<vmem>> -> memref<128x128xf32, #tpu.memory_space<vmem>>
        %dma_start3A_123 = arith.constant 0 : i32
        %dma_start3A_124 = tpu.memref_slice %arg2[%multiple_of3A_114, %dma_start3A_123] : memref<10000x128xf32, #tpu.memory_space<hbm>> -> memref<128x128xf32, #tpu.memory_space<hbm>>
        tpu.enqueue_dma source(%dma_start3A_124 : memref<128x128xf32, #tpu.memory_space<hbm>>) target(%dma_start3A_122 : memref<128x128xf32, #tpu.memory_space<vmem>>) target_semaphore(%arg10 : memref<!tpu.dma_semaphore, #tpu.memory_space<semaphore_mem>>)
      } else {
      }
      %mul3A_109 = arith.constant 128 : i32
      %mul3A_110 = arith.muli %add3A_20, %mul3A_109 : i32
      %multiple_of3A_111 = tpu.assume_multiple %mul3A_110, 8 : i32
      "tpu.region"() ({
        %run_scoped3A = tpu.sem_alloc : memref<!tpu.dma_semaphore, #tpu.memory_space<semaphore_mem>>
        %dma_start3A_112 = arith.constant 0 : i32
        %dma_start3A_113 = arith.constant 0 : i32
        %dma_start3A_114 = tpu.memref_slice %arg7[%dma_start3A_112, %dma_start3A_113] : memref<128x128xf32, #tpu.memory_space<vmem>> -> memref<128x128xf32, #tpu.memory_space<vmem>>
        %dma_start3A_115 = arith.constant 0 : i32
        %dma_start3A_116 = tpu.memref_slice %arg5[%multiple_of3A_111, %dma_start3A_115] : memref<10000x128xf32, #tpu.memory_space<vmem_shared>> -> memref<128x128xf32, #tpu.memory_space<vmem_shared>>
        %dma_start3A_117 = arith.constant 0 : i32
        %dma_start3A_118 = tpu.memref_slice %arg5[%multiple_of3A_111, %dma_start3A_117] : memref<10000x128xf32, #tpu.memory_space<vmem_shared>> -> memref<128x128xf32, #tpu.memory_space<vmem_shared>>
        %dma_start3A_119 = arith.constant 0 : i32
        %dma_start3A_120 = arith.constant 0 : i32
        %dma_start3A_121 = tpu.memref_slice %arg7[%dma_start3A_119, %dma_start3A_120] : memref<128x128xf32, #tpu.memory_space<vmem>> -> memref<128x128xf32, #tpu.memory_space<vmem>>
        tpu.enqueue_dma source(%dma_start3A_121 : memref<128x128xf32, #tpu.memory_space<vmem>>) target(%dma_start3A_118 : memref<128x128xf32, #tpu.memory_space<vmem_shared>>) target_semaphore(%run_scoped3A : memref<!tpu.dma_semaphore, #tpu.memory_space<semaphore_mem>>)
        %dma_wait3A_122 = arith.constant 0 : i32
        %dma_wait3A_123 = arith.constant 0 : i32
        %dma_wait3A_124 = tpu.memref_slice %arg7[%dma_wait3A_122, %dma_wait3A_123] : memref<128x128xf32, #tpu.memory_space<vmem>> -> memref<128x128xf32, #tpu.memory_space<vmem>>
        %dma_wait3A_125 = arith.constant 0 : i32
        %dma_wait3A_126 = tpu.memref_slice %arg5[%multiple_of3A_111, %dma_wait3A_125] : memref<10000x128xf32, #tpu.memory_space<vmem_shared>> -> memref<128x128xf32, #tpu.memory_space<vmem_shared>>
        %dma_wait3A_127 = arith.constant 0 : i32
        %dma_wait3A_128 = tpu.memref_slice %arg5[%multiple_of3A_111, %dma_wait3A_127] : memref<10000x128xf32, #tpu.memory_space<vmem_shared>> -> memref<128x128xf32, #tpu.memory_space<vmem_shared>>
        %dma_wait3A_129 = arith.constant 0 : i32
        %dma_wait3A_130 = arith.constant 0 : i32
        %dma_wait3A_131 = tpu.memref_slice %arg7[%dma_wait3A_129, %dma_wait3A_130] : memref<128x128xf32, #tpu.memory_space<vmem>> -> memref<128x128xf32, #tpu.memory_space<vmem>>
        tpu.wait_dma2 semaphore(%run_scoped3A : memref<!tpu.dma_semaphore, #tpu.memory_space<semaphore_mem>>) src(%dma_wait3A_131 : memref<128x128xf32, #tpu.memory_space<vmem>>) dst(%dma_wait3A_128 : memref<128x128xf32, #tpu.memory_space<vmem_shared>>)
        tpu.yield
      }) : () -> ()
    } else {
    }
    %add3A_26 = arith.constant 48 : i32
    %add3A_27 = arith.addi %add3A_26, %arg1 : i32
    %lt3A_28 = arith.constant 78 : i32
    %lt3A_29 = arith.cmpi slt, %add3A_27, %lt3A_28 : i32
    %convert_element_type3A_30 = arith.extui %lt3A_29 : i1 to i32
    %cond3A_31 = arith.constant 0 : i32
    %cond3A_32 = arith.cmpi ne, %convert_element_type3A_30, %cond3A_31 : i32
    scf.if %cond3A_32 {
      %dma_wait3A_90 = arith.constant 0 : i32
      %dma_wait3A_91 = arith.constant 0 : i32
      %dma_wait3A_92 = tpu.memref_slice %arg8[%dma_wait3A_90, %dma_wait3A_91] : memref<128x128xf32, #tpu.memory_space<vmem>> -> memref<128x128xf32, #tpu.memory_space<vmem>>
      %dma_wait3A_93 = arith.constant 0 : i32
      %dma_wait3A_94 = arith.constant 0 : i32
      %dma_wait3A_95 = tpu.memref_slice %arg2[%dma_wait3A_93, %dma_wait3A_94] : memref<10000x128xf32, #tpu.memory_space<hbm>> -> memref<128x128xf32, #tpu.memory_space<hbm>>
      %dma_wait3A_96 = arith.constant 0 : i32
      %dma_wait3A_97 = arith.constant 0 : i32
      %dma_wait3A_98 = tpu.memref_slice %arg8[%dma_wait3A_96, %dma_wait3A_97] : memref<128x128xf32, #tpu.memory_space<vmem>> -> memref<128x128xf32, #tpu.memory_space<vmem>>
      %dma_wait3A_99 = arith.constant 0 : i32
      %dma_wait3A_100 = arith.constant 0 : i32
      %dma_wait3A_101 = tpu.memref_slice %arg2[%dma_wait3A_99, %dma_wait3A_100] : memref<10000x128xf32, #tpu.memory_space<hbm>> -> memref<128x128xf32, #tpu.memory_space<hbm>>
      tpu.wait_dma2 semaphore(%arg10 : memref<!tpu.dma_semaphore, #tpu.memory_space<semaphore_mem>>) src(%dma_wait3A_101 : memref<128x128xf32, #tpu.memory_space<hbm>>) dst(%dma_wait3A_98 : memref<128x128xf32, #tpu.memory_space<vmem>>)
      %add3A_102 = arith.constant 64 : i32
      %add3A_103 = arith.addi %add3A_102, %arg1 : i32
      %lt3A_104 = arith.constant 78 : i32
      %lt3A_105 = arith.cmpi slt, %add3A_103, %lt3A_104 : i32
      %convert_element_type3A_106 = arith.extui %lt3A_105 : i1 to i32
      %cond3A_107 = arith.constant 0 : i32
      %cond3A_108 = arith.cmpi ne, %convert_element_type3A_106, %cond3A_107 : i32
      scf.if %cond3A_108 {
        %mul3A_112 = arith.constant 128 : i32
        %mul3A_113 = arith.muli %add3A_103, %mul3A_112 : i32
        %multiple_of3A_114 = tpu.assume_multiple %mul3A_113, 8 : i32
        %dma_start3A_115 = arith.constant 0 : i32
        %dma_start3A_116 = arith.constant 0 : i32
        %dma_start3A_117 = tpu.memref_slice %arg7[%dma_start3A_115, %dma_start3A_116] : memref<128x128xf32, #tpu.memory_space<vmem>> -> memref<128x128xf32, #tpu.memory_space<vmem>>
        %dma_start3A_118 = arith.constant 0 : i32
        %dma_start3A_119 = tpu.memref_slice %arg2[%multiple_of3A_114, %dma_start3A_118] : memref<10000x128xf32, #tpu.memory_space<hbm>> -> memref<128x128xf32, #tpu.memory_space<hbm>>
        %dma_start3A_120 = arith.constant 0 : i32
        %dma_start3A_121 = arith.constant 0 : i32
        %dma_start3A_122 = tpu.memref_slice %arg7[%dma_start3A_120, %dma_start3A_121] : memref<128x128xf32, #tpu.memory_space<vmem>> -> memref<128x128xf32, #tpu.memory_space<vmem>>
        %dma_start3A_123 = arith.constant 0 : i32
        %dma_start3A_124 = tpu.memref_slice %arg2[%multiple_of3A_114, %dma_start3A_123] : memref<10000x128xf32, #tpu.memory_space<hbm>> -> memref<128x128xf32, #tpu.memory_space<hbm>>
        tpu.enqueue_dma source(%dma_start3A_124 : memref<128x128xf32, #tpu.memory_space<hbm>>) target(%dma_start3A_122 : memref<128x128xf32, #tpu.memory_space<vmem>>) target_semaphore(%arg9 : memref<!tpu.dma_semaphore, #tpu.memory_space<semaphore_mem>>)
      } else {
      }
      %mul3A_109 = arith.constant 128 : i32
      %mul3A_110 = arith.muli %add3A_27, %mul3A_109 : i32
      %multiple_of3A_111 = tpu.assume_multiple %mul3A_110, 8 : i32
      "tpu.region"() ({
        %run_scoped3A = tpu.sem_alloc : memref<!tpu.dma_semaphore, #tpu.memory_space<semaphore_mem>>
        %dma_start3A_112 = arith.constant 0 : i32
        %dma_start3A_113 = arith.constant 0 : i32
        %dma_start3A_114 = tpu.memref_slice %arg8[%dma_start3A_112, %dma_start3A_113] : memref<128x128xf32, #tpu.memory_space<vmem>> -> memref<128x128xf32, #tpu.memory_space<vmem>>
        %dma_start3A_115 = arith.constant 0 : i32
        %dma_start3A_116 = tpu.memref_slice %arg5[%multiple_of3A_111, %dma_start3A_115] : memref<10000x128xf32, #tpu.memory_space<vmem_shared>> -> memref<128x128xf32, #tpu.memory_space<vmem_shared>>
        %dma_start3A_117 = arith.constant 0 : i32
        %dma_start3A_118 = tpu.memref_slice %arg5[%multiple_of3A_111, %dma_start3A_117] : memref<10000x128xf32, #tpu.memory_space<vmem_shared>> -> memref<128x128xf32, #tpu.memory_space<vmem_shared>>
        %dma_start3A_119 = arith.constant 0 : i32
        %dma_start3A_120 = arith.constant 0 : i32
        %dma_start3A_121 = tpu.memref_slice %arg8[%dma_start3A_119, %dma_start3A_120] : memref<128x128xf32, #tpu.memory_space<vmem>> -> memref<128x128xf32, #tpu.memory_space<vmem>>
        tpu.enqueue_dma source(%dma_start3A_121 : memref<128x128xf32, #tpu.memory_space<vmem>>) target(%dma_start3A_118 : memref<128x128xf32, #tpu.memory_space<vmem_shared>>) target_semaphore(%run_scoped3A : memref<!tpu.dma_semaphore, #tpu.memory_space<semaphore_mem>>)
        %dma_wait3A_122 = arith.constant 0 : i32
        %dma_wait3A_123 = arith.constant 0 : i32
        %dma_wait3A_124 = tpu.memref_slice %arg8[%dma_wait3A_122, %dma_wait3A_123] : memref<128x128xf32, #tpu.memory_space<vmem>> -> memref<128x128xf32, #tpu.memory_space<vmem>>
        %dma_wait3A_125 = arith.constant 0 : i32
        %dma_wait3A_126 = tpu.memref_slice %arg5[%multiple_of3A_111, %dma_wait3A_125] : memref<10000x128xf32, #tpu.memory_space<vmem_shared>> -> memref<128x128xf32, #tpu.memory_space<vmem_shared>>
        %dma_wait3A_127 = arith.constant 0 : i32
        %dma_wait3A_128 = tpu.memref_slice %arg5[%multiple_of3A_111, %dma_wait3A_127] : memref<10000x128xf32, #tpu.memory_space<vmem_shared>> -> memref<128x128xf32, #tpu.memory_space<vmem_shared>>
        %dma_wait3A_129 = arith.constant 0 : i32
        %dma_wait3A_130 = arith.constant 0 : i32
        %dma_wait3A_131 = tpu.memref_slice %arg8[%dma_wait3A_129, %dma_wait3A_130] : memref<128x128xf32, #tpu.memory_space<vmem>> -> memref<128x128xf32, #tpu.memory_space<vmem>>
        tpu.wait_dma2 semaphore(%run_scoped3A : memref<!tpu.dma_semaphore, #tpu.memory_space<semaphore_mem>>) src(%dma_wait3A_131 : memref<128x128xf32, #tpu.memory_space<vmem>>) dst(%dma_wait3A_128 : memref<128x128xf32, #tpu.memory_space<vmem_shared>>)
        tpu.yield
      }) : () -> ()
    } else {
    }
    %add3A_33 = arith.constant 64 : i32
    %add3A_34 = arith.addi %add3A_33, %arg1 : i32
    %lt3A_35 = arith.constant 78 : i32
    %lt3A_36 = arith.cmpi slt, %add3A_34, %lt3A_35 : i32
    %convert_element_type3A_37 = arith.extui %lt3A_36 : i1 to i32
    %cond3A_38 = arith.constant 0 : i32
    %cond3A_39 = arith.cmpi ne, %convert_element_type3A_37, %cond3A_38 : i32
    scf.if %cond3A_39 {
      %dma_wait3A_90 = arith.constant 0 : i32
      %dma_wait3A_91 = arith.constant 0 : i32
      %dma_wait3A_92 = tpu.memref_slice %arg7[%dma_wait3A_90, %dma_wait3A_91] : memref<128x128xf32, #tpu.memory_space<vmem>> -> memref<128x128xf32, #tpu.memory_space<vmem>>
      %dma_wait3A_93 = arith.constant 0 : i32
      %dma_wait3A_94 = arith.constant 0 : i32
      %dma_wait3A_95 = tpu.memref_slice %arg2[%dma_wait3A_93, %dma_wait3A_94] : memref<10000x128xf32, #tpu.memory_space<hbm>> -> memref<128x128xf32, #tpu.memory_space<hbm>>
      %dma_wait3A_96 = arith.constant 0 : i32
      %dma_wait3A_97 = arith.constant 0 : i32
      %dma_wait3A_98 = tpu.memref_slice %arg7[%dma_wait3A_96, %dma_wait3A_97] : memref<128x128xf32, #tpu.memory_space<vmem>> -> memref<128x128xf32, #tpu.memory_space<vmem>>
      %dma_wait3A_99 = arith.constant 0 : i32
      %dma_wait3A_100 = arith.constant 0 : i32
      %dma_wait3A_101 = tpu.memref_slice %arg2[%dma_wait3A_99, %dma_wait3A_100] : memref<10000x128xf32, #tpu.memory_space<hbm>> -> memref<128x128xf32, #tpu.memory_space<hbm>>
      tpu.wait_dma2 semaphore(%arg9 : memref<!tpu.dma_semaphore, #tpu.memory_space<semaphore_mem>>) src(%dma_wait3A_101 : memref<128x128xf32, #tpu.memory_space<hbm>>) dst(%dma_wait3A_98 : memref<128x128xf32, #tpu.memory_space<vmem>>)
      %mul3A_102 = arith.constant 128 : i32
      %mul3A_103 = arith.muli %add3A_34, %mul3A_102 : i32
      %multiple_of3A_104 = tpu.assume_multiple %mul3A_103, 8 : i32
      "tpu.region"() ({
        %run_scoped3A = tpu.sem_alloc : memref<!tpu.dma_semaphore, #tpu.memory_space<semaphore_mem>>
        %dma_start3A_105 = arith.constant 0 : i32
        %dma_start3A_106 = arith.constant 0 : i32
        %dma_start3A_107 = tpu.memref_slice %arg7[%dma_start3A_105, %dma_start3A_106] : memref<128x128xf32, #tpu.memory_space<vmem>> -> memref<128x128xf32, #tpu.memory_space<vmem>>
        %dma_start3A_108 = arith.constant 0 : i32
        %dma_start3A_109 = tpu.memref_slice %arg5[%multiple_of3A_104, %dma_start3A_108] : memref<10000x128xf32, #tpu.memory_space<vmem_shared>> -> memref<128x128xf32, #tpu.memory_space<vmem_shared>>
        %dma_start3A_110 = arith.constant 0 : i32
        %dma_start3A_111 = tpu.memref_slice %arg5[%multiple_of3A_104, %dma_start3A_110] : memref<10000x128xf32, #tpu.memory_space<vmem_shared>> -> memref<128x128xf32, #tpu.memory_space<vmem_shared>>
        %dma_start3A_112 = arith.constant 0 : i32
        %dma_start3A_113 = arith.constant 0 : i32
        %dma_start3A_114 = tpu.memref_slice %arg7[%dma_start3A_112, %dma_start3A_113] : memref<128x128xf32, #tpu.memory_space<vmem>> -> memref<128x128xf32, #tpu.memory_space<vmem>>
        tpu.enqueue_dma source(%dma_start3A_114 : memref<128x128xf32, #tpu.memory_space<vmem>>) target(%dma_start3A_111 : memref<128x128xf32, #tpu.memory_space<vmem_shared>>) target_semaphore(%run_scoped3A : memref<!tpu.dma_semaphore, #tpu.memory_space<semaphore_mem>>)
        %dma_wait3A_115 = arith.constant 0 : i32
        %dma_wait3A_116 = arith.constant 0 : i32
        %dma_wait3A_117 = tpu.memref_slice %arg7[%dma_wait3A_115, %dma_wait3A_116] : memref<128x128xf32, #tpu.memory_space<vmem>> -> memref<128x128xf32, #tpu.memory_space<vmem>>
        %dma_wait3A_118 = arith.constant 0 : i32
        %dma_wait3A_119 = tpu.memref_slice %arg5[%multiple_of3A_104, %dma_wait3A_118] : memref<10000x128xf32, #tpu.memory_space<vmem_shared>> -> memref<128x128xf32, #tpu.memory_space<vmem_shared>>
        %dma_wait3A_120 = arith.constant 0 : i32
        %dma_wait3A_121 = tpu.memref_slice %arg5[%multiple_of3A_104, %dma_wait3A_120] : memref<10000x128xf32, #tpu.memory_space<vmem_shared>> -> memref<128x128xf32, #tpu.memory_space<vmem_shared>>
        %dma_wait3A_122 = arith.constant 0 : i32
        %dma_wait3A_123 = arith.constant 0 : i32
        %dma_wait3A_124 = tpu.memref_slice %arg7[%dma_wait3A_122, %dma_wait3A_123] : memref<128x128xf32, #tpu.memory_space<vmem>> -> memref<128x128xf32, #tpu.memory_space<vmem>>
        tpu.wait_dma2 semaphore(%run_scoped3A : memref<!tpu.dma_semaphore, #tpu.memory_space<semaphore_mem>>) src(%dma_wait3A_124 : memref<128x128xf32, #tpu.memory_space<vmem>>) dst(%dma_wait3A_121 : memref<128x128xf32, #tpu.memory_space<vmem_shared>>)
        tpu.yield
      }) : () -> ()
    } else {
    }
    %eq3A = arith.constant 0 : i32
    %eq3A_40 = arith.cmpi eq, %arg1, %eq3A : i32
    %convert_element_type3A_41 = arith.extui %eq3A_40 : i1 to i32
    %cond3A_42 = arith.constant 0 : i32
    %cond3A_43 = arith.cmpi ne, %convert_element_type3A_41, %cond3A_42 : i32
    scf.if %cond3A_43 {
      %multiple_of3A_90 = arith.constant 9984 : i32
      %multiple_of3A_91 = tpu.assume_multiple %multiple_of3A_90, 8 : i32
      "tpu.region"() ({
        %run_scoped3A = tpu.sem_alloc : memref<!tpu.dma_semaphore, #tpu.memory_space<semaphore_mem>>
        %dma_start3A_92 = arith.constant 0 : i32
        %dma_start3A_93 = arith.constant 0 : i32
        %dma_start3A_94 = tpu.memref_slice %arg7[%dma_start3A_92, %dma_start3A_93] : memref<128x128xf32, #tpu.memory_space<vmem>> -> memref<16x128xf32, #tpu.memory_space<vmem>>
        %dma_start3A_95 = arith.constant 0 : i32
        %dma_start3A_96 = tpu.memref_slice %arg2[%multiple_of3A_91, %dma_start3A_95] : memref<10000x128xf32, #tpu.memory_space<hbm>> -> memref<16x128xf32, #tpu.memory_space<hbm>>
        %dma_start3A_97 = arith.constant 0 : i32
        %dma_start3A_98 = arith.constant 0 : i32
        %dma_start3A_99 = tpu.memref_slice %arg7[%dma_start3A_97, %dma_start3A_98] : memref<128x128xf32, #tpu.memory_space<vmem>> -> memref<16x128xf32, #tpu.memory_space<vmem>>
        %dma_start3A_100 = arith.constant 0 : i32
        %dma_start3A_101 = tpu.memref_slice %arg2[%multiple_of3A_91, %dma_start3A_100] : memref<10000x128xf32, #tpu.memory_space<hbm>> -> memref<16x128xf32, #tpu.memory_space<hbm>>
        tpu.enqueue_dma source(%dma_start3A_101 : memref<16x128xf32, #tpu.memory_space<hbm>>) target(%dma_start3A_99 : memref<16x128xf32, #tpu.memory_space<vmem>>) target_semaphore(%run_scoped3A : memref<!tpu.dma_semaphore, #tpu.memory_space<semaphore_mem>>)
        %dma_wait3A_102 = arith.constant 0 : i32
        %dma_wait3A_103 = arith.constant 0 : i32
        %dma_wait3A_104 = tpu.memref_slice %arg7[%dma_wait3A_102, %dma_wait3A_103] : memref<128x128xf32, #tpu.memory_space<vmem>> -> memref<16x128xf32, #tpu.memory_space<vmem>>
        %dma_wait3A_105 = arith.constant 0 : i32
        %dma_wait3A_106 = tpu.memref_slice %arg2[%multiple_of3A_91, %dma_wait3A_105] : memref<10000x128xf32, #tpu.memory_space<hbm>> -> memref<16x128xf32, #tpu.memory_space<hbm>>
        %dma_wait3A_107 = arith.constant 0 : i32
        %dma_wait3A_108 = arith.constant 0 : i32
        %dma_wait3A_109 = tpu.memref_slice %arg7[%dma_wait3A_107, %dma_wait3A_108] : memref<128x128xf32, #tpu.memory_space<vmem>> -> memref<16x128xf32, #tpu.memory_space<vmem>>
        %dma_wait3A_110 = arith.constant 0 : i32
        %dma_wait3A_111 = tpu.memref_slice %arg2[%multiple_of3A_91, %dma_wait3A_110] : memref<10000x128xf32, #tpu.memory_space<hbm>> -> memref<16x128xf32, #tpu.memory_space<hbm>>
        tpu.wait_dma2 semaphore(%run_scoped3A : memref<!tpu.dma_semaphore, #tpu.memory_space<semaphore_mem>>) src(%dma_wait3A_111 : memref<16x128xf32, #tpu.memory_space<hbm>>) dst(%dma_wait3A_109 : memref<16x128xf32, #tpu.memory_space<vmem>>)
        tpu.yield
      }) : () -> ()
      "tpu.region"() ({
        %run_scoped3A = tpu.sem_alloc : memref<!tpu.dma_semaphore, #tpu.memory_space<semaphore_mem>>
        %dma_start3A_92 = arith.constant 0 : i32
        %dma_start3A_93 = arith.constant 0 : i32
        %dma_start3A_94 = tpu.memref_slice %arg7[%dma_start3A_92, %dma_start3A_93] : memref<128x128xf32, #tpu.memory_space<vmem>> -> memref<16x128xf32, #tpu.memory_space<vmem>>
        %dma_start3A_95 = arith.constant 0 : i32
        %dma_start3A_96 = tpu.memref_slice %arg5[%multiple_of3A_91, %dma_start3A_95] : memref<10000x128xf32, #tpu.memory_space<vmem_shared>> -> memref<16x128xf32, #tpu.memory_space<vmem_shared>>
        %dma_start3A_97 = arith.constant 0 : i32
        %dma_start3A_98 = tpu.memref_slice %arg5[%multiple_of3A_91, %dma_start3A_97] : memref<10000x128xf32, #tpu.memory_space<vmem_shared>> -> memref<16x128xf32, #tpu.memory_space<vmem_shared>>
        %dma_start3A_99 = arith.constant 0 : i32
        %dma_start3A_100 = arith.constant 0 : i32
        %dma_start3A_101 = tpu.memref_slice %arg7[%dma_start3A_99, %dma_start3A_100] : memref<128x128xf32, #tpu.memory_space<vmem>> -> memref<16x128xf32, #tpu.memory_space<vmem>>
        tpu.enqueue_dma source(%dma_start3A_101 : memref<16x128xf32, #tpu.memory_space<vmem>>) target(%dma_start3A_98 : memref<16x128xf32, #tpu.memory_space<vmem_shared>>) target_semaphore(%run_scoped3A : memref<!tpu.dma_semaphore, #tpu.memory_space<semaphore_mem>>)
        %dma_wait3A_102 = arith.constant 0 : i32
        %dma_wait3A_103 = arith.constant 0 : i32
        %dma_wait3A_104 = tpu.memref_slice %arg7[%dma_wait3A_102, %dma_wait3A_103] : memref<128x128xf32, #tpu.memory_space<vmem>> -> memref<16x128xf32, #tpu.memory_space<vmem>>
        %dma_wait3A_105 = arith.constant 0 : i32
        %dma_wait3A_106 = tpu.memref_slice %arg5[%multiple_of3A_91, %dma_wait3A_105] : memref<10000x128xf32, #tpu.memory_space<vmem_shared>> -> memref<16x128xf32, #tpu.memory_space<vmem_shared>>
        %dma_wait3A_107 = arith.constant 0 : i32
        %dma_wait3A_108 = tpu.memref_slice %arg5[%multiple_of3A_91, %dma_wait3A_107] : memref<10000x128xf32, #tpu.memory_space<vmem_shared>> -> memref<16x128xf32, #tpu.memory_space<vmem_shared>>
        %dma_wait3A_109 = arith.constant 0 : i32
        %dma_wait3A_110 = arith.constant 0 : i32
        %dma_wait3A_111 = tpu.memref_slice %arg7[%dma_wait3A_109, %dma_wait3A_110] : memref<128x128xf32, #tpu.memory_space<vmem>> -> memref<16x128xf32, #tpu.memory_space<vmem>>
        tpu.wait_dma2 semaphore(%run_scoped3A : memref<!tpu.dma_semaphore, #tpu.memory_space<semaphore_mem>>) src(%dma_wait3A_111 : memref<16x128xf32, #tpu.memory_space<vmem>>) dst(%dma_wait3A_108 : memref<16x128xf32, #tpu.memory_space<vmem_shared>>)
        tpu.yield
      }) : () -> ()
    } else {
    }
    %barrier3A = arith.constant 0 : index
    tpu.barrier barrier_id(%barrier3A)
    %dma_start3A = arith.constant 0 : i32
    %dma_start3A_44 = arith.constant 0 : i32
    %dma_start3A_45 = tpu.memref_slice %arg7[%dma_start3A, %dma_start3A_44] : memref<128x128xf32, #tpu.memory_space<vmem>> -> memref<128x128xf32, #tpu.memory_space<vmem>>
    %dma_start3A_46 = arith.constant 0 : i32
    %dma_start3A_47 = tpu.memref_slice %arg6[%dma_start3A_46] : memref<10000xi32, #tpu.memory_space<vmem>> -> memref<128xi32, #tpu.memory_space<vmem>>
    %dma_start3A_48 = arith.constant 0 : i32
    %dma_start3A_49 = arith.constant 0 : i32
    %dma_start3A_50 = tpu.memref_slice %arg5[%dma_start3A_48, %dma_start3A_49] : memref<10000x128xf32, #tpu.memory_space<vmem_shared>> -> memref<10000x128xf32, #tpu.memory_space<vmem_shared>>
    tpu.enqueue_indirect_dma source(%dma_start3A_50 : memref<10000x128xf32, #tpu.memory_space<vmem_shared>>) target(%dma_start3A_45 : memref<128x128xf32, #tpu.memory_space<vmem>>) offsets(%dma_start3A_47 : memref<128xi32, #tpu.memory_space<vmem>>) semaphore(%arg9 : memref<!tpu.dma_semaphore, #tpu.memory_space<semaphore_mem>>)
    %scan3A = arith.constant 0 : i32
    %scan3A_51 = arith.constant 0 : i32
    %scan3A_52 = arith.constant 78 : i32
    %scan3A_53 = arith.addi %scan3A_51, %scan3A_52 : i32
    %scan3A_54 = arith.constant 1 : i32
    scf.for %scan3A_90 = %scan3A_51 to %scan3A_53 step %scan3A_54  : i32 {
      %jit3A = arith.constant 2 : i32
      %eq3A_91 = arith.constant 0 : i32
      %eq3A_92 = arith.cmpi eq, %jit3A, %eq3A_91 : i32
      %jit3A_93 = arith.constant 1 : i32
      %select_n3A = arith.select %eq3A_92, %jit3A_93, %jit3A : i32
      %rem3A = arith.remsi %scan3A_90, %select_n3A : i32
      %ne3A = arith.constant 0 : i32
      %ne3A_94 = arith.cmpi ne, %rem3A, %ne3A : i32
      %lt3A_95 = arith.constant 0 : i32
      %lt3A_96 = arith.cmpi slt, %rem3A, %lt3A_95 : i32
      %lt3A_97 = arith.constant 0 : i32
      %lt3A_98 = arith.cmpi slt, %select_n3A, %lt3A_97 : i32
      %ne3A_99 = arith.xori %lt3A_96, %lt3A_98 : i1
      %and3A = arith.andi %ne3A_99, %ne3A_94 : i1
      %add3A_100 = arith.addi %rem3A, %select_n3A : i32
      %select_n3A_101 = arith.select %and3A, %add3A_100, %rem3A : i32
      %eq3A_102 = arith.constant 0 : i32
      %eq3A_103 = arith.cmpi eq, %select_n3A_101, %eq3A_102 : i32
      %convert_element_type3A_104 = arith.extui %eq3A_103 : i1 to i32
      %cond3A_105 = arith.constant 0 : i32
      %cond3A_106 = arith.cmpi ne, %convert_element_type3A_104, %cond3A_105 : i32
      scf.if %cond3A_106 {
        %add3A_128 = arith.constant 1 : i32
        %add3A_129 = arith.addi %scan3A_90, %add3A_128 : i32
        %lt3A_130 = arith.constant 78 : i32
        %lt3A_131 = arith.cmpi slt, %add3A_129, %lt3A_130 : i32
        %convert_element_type3A_132 = arith.extui %lt3A_131 : i1 to i32
        %cond3A_133 = arith.constant 0 : i32
        %cond3A_134 = arith.cmpi ne, %convert_element_type3A_132, %cond3A_133 : i32
        scf.if %cond3A_134 {
          %ge3A = arith.constant 1 : i32
          %ge3A_155 = arith.cmpi sge, %scan3A_90, %ge3A : i32
          %convert_element_type3A_156 = arith.extui %ge3A_155 : i1 to i32
          %cond3A_157 = arith.constant 0 : i32
          %cond3A_158 = arith.cmpi ne, %convert_element_type3A_156, %cond3A_157 : i32
          scf.if %cond3A_158 {
            %dma_wait3A_172 = arith.constant 0 : i32
            %dma_wait3A_173 = arith.constant 0 : i32
            %dma_wait3A_174 = tpu.memref_slice %arg4[%dma_wait3A_172, %dma_wait3A_173] : memref<320000x128xf32, #tpu.memory_space<hbm>> -> memref<128x128xf32, #tpu.memory_space<hbm>>
            %dma_wait3A_175 = arith.constant 0 : i32
            %dma_wait3A_176 = arith.constant 0 : i32
            %dma_wait3A_177 = tpu.memref_slice %arg4[%dma_wait3A_175, %dma_wait3A_176] : memref<320000x128xf32, #tpu.memory_space<hbm>> -> memref<128x128xf32, #tpu.memory_space<hbm>>
            tpu.wait_dma2 semaphore(%arg12 : memref<!tpu.dma_semaphore, #tpu.memory_space<semaphore_mem>>) src(%arg8 : memref<128x128xf32, #tpu.memory_space<vmem>>) dst(%dma_wait3A_177 : memref<128x128xf32, #tpu.memory_space<hbm>>)
          } else {
          }
          %add3A_159 = arith.constant 1 : i32
          %add3A_160 = arith.addi %scan3A_90, %add3A_159 : i32
          %mul3A_161 = arith.constant 128 : i32
          %mul3A_162 = arith.muli %add3A_160, %mul3A_161 : i32
          %add3A_163 = arith.constant 0 : i32
          %add3A_164 = arith.addi %mul3A_162, %add3A_163 : i32
          %dma_start3A_165 = arith.constant 0 : i32
          %dma_start3A_166 = arith.constant 0 : i32
          %dma_start3A_167 = tpu.memref_slice %arg8[%dma_start3A_165, %dma_start3A_166] : memref<128x128xf32, #tpu.memory_space<vmem>> -> memref<128x128xf32, #tpu.memory_space<vmem>>
          %dma_start3A_168 = tpu.memref_slice %arg6[%add3A_164] : memref<10000xi32, #tpu.memory_space<vmem>> -> memref<128xi32, #tpu.memory_space<vmem>>
          %dma_start3A_169 = arith.constant 0 : i32
          %dma_start3A_170 = arith.constant 0 : i32
          %dma_start3A_171 = tpu.memref_slice %arg5[%dma_start3A_169, %dma_start3A_170] : memref<10000x128xf32, #tpu.memory_space<vmem_shared>> -> memref<10000x128xf32, #tpu.memory_space<vmem_shared>>
          tpu.enqueue_indirect_dma source(%dma_start3A_171 : memref<10000x128xf32, #tpu.memory_space<vmem_shared>>) target(%dma_start3A_167 : memref<128x128xf32, #tpu.memory_space<vmem>>) offsets(%dma_start3A_168 : memref<128xi32, #tpu.memory_space<vmem>>) semaphore(%arg10 : memref<!tpu.dma_semaphore, #tpu.memory_space<semaphore_mem>>)
        } else {
        }
        %dma_wait3A_135 = arith.constant 0 : i32
        %dma_wait3A_136 = arith.constant 0 : i32
        %dma_wait3A_137 = tpu.memref_slice %arg7[%dma_wait3A_135, %dma_wait3A_136] : memref<128x128xf32, #tpu.memory_space<vmem>> -> memref<128x128xf32, #tpu.memory_space<vmem>>
        %dma_wait3A_138 = arith.constant 0 : i32
        %dma_wait3A_139 = arith.constant 0 : i32
        %dma_wait3A_140 = tpu.memref_slice %arg2[%dma_wait3A_138, %dma_wait3A_139] : memref<10000x128xf32, #tpu.memory_space<hbm>> -> memref<128x128xf32, #tpu.memory_space<hbm>>
        %dma_wait3A_141 = arith.constant 0 : i32
        %dma_wait3A_142 = arith.constant 0 : i32
        %dma_wait3A_143 = tpu.memref_slice %arg7[%dma_wait3A_141, %dma_wait3A_142] : memref<128x128xf32, #tpu.memory_space<vmem>> -> memref<128x128xf32, #tpu.memory_space<vmem>>
        %dma_wait3A_144 = arith.constant 0 : i32
        %dma_wait3A_145 = arith.constant 0 : i32
        %dma_wait3A_146 = tpu.memref_slice %arg2[%dma_wait3A_144, %dma_wait3A_145] : memref<10000x128xf32, #tpu.memory_space<hbm>> -> memref<128x128xf32, #tpu.memory_space<hbm>>
        tpu.wait_dma2 semaphore(%arg9 : memref<!tpu.dma_semaphore, #tpu.memory_space<semaphore_mem>>) src(%dma_wait3A_146 : memref<128x128xf32, #tpu.memory_space<hbm>>) dst(%dma_wait3A_143 : memref<128x128xf32, #tpu.memory_space<vmem>>)
        %mul3A_147 = arith.constant 128 : i32
        %mul3A_148 = arith.muli %scan3A_90, %mul3A_147 : i32
        %add3A_149 = arith.addi %mul3A_2, %mul3A_148 : i32
        %multiple_of3A_150 = tpu.assume_multiple %add3A_149, 8 : i32
        %dma_start3A_151 = arith.constant 0 : i32
        %dma_start3A_152 = tpu.memref_slice %arg4[%multiple_of3A_150, %dma_start3A_151] : memref<320000x128xf32, #tpu.memory_space<hbm>> -> memref<128x128xf32, #tpu.memory_space<hbm>>
        %dma_start3A_153 = arith.constant 0 : i32
        %dma_start3A_154 = tpu.memref_slice %arg4[%multiple_of3A_150, %dma_start3A_153] : memref<320000x128xf32, #tpu.memory_space<hbm>> -> memref<128x128xf32, #tpu.memory_space<hbm>>
        tpu.enqueue_dma source(%arg7 : memref<128x128xf32, #tpu.memory_space<vmem>>) target(%dma_start3A_154 : memref<128x128xf32, #tpu.memory_space<hbm>>) target_semaphore(%arg11 : memref<!tpu.dma_semaphore, #tpu.memory_space<semaphore_mem>>)
      } else {
      }
      %jit3A_107 = arith.constant 2 : i32
      %eq3A_108 = arith.constant 0 : i32
      %eq3A_109 = arith.cmpi eq, %jit3A_107, %eq3A_108 : i32
      %jit3A_110 = arith.constant 1 : i32
      %select_n3A_111 = arith.select %eq3A_109, %jit3A_110, %jit3A_107 : i32
      %rem3A_112 = arith.remsi %scan3A_90, %select_n3A_111 : i32
      %ne3A_113 = arith.constant 0 : i32
      %ne3A_114 = arith.cmpi ne, %rem3A_112, %ne3A_113 : i32
      %lt3A_115 = arith.constant 0 : i32
      %lt3A_116 = arith.cmpi slt, %rem3A_112, %lt3A_115 : i32
      %lt3A_117 = arith.constant 0 : i32
      %lt3A_118 = arith.cmpi slt, %select_n3A_111, %lt3A_117 : i32
      %ne3A_119 = arith.xori %lt3A_116, %lt3A_118 : i1
      %and3A_120 = arith.andi %ne3A_119, %ne3A_114 : i1
      %add3A_121 = arith.addi %rem3A_112, %select_n3A_111 : i32
      %select_n3A_122 = arith.select %and3A_120, %add3A_121, %rem3A_112 : i32
      %eq3A_123 = arith.constant 1 : i32
      %eq3A_124 = arith.cmpi eq, %select_n3A_122, %eq3A_123 : i32
      %convert_element_type3A_125 = arith.extui %eq3A_124 : i1 to i32
      %cond3A_126 = arith.constant 0 : i32
      %cond3A_127 = arith.cmpi ne, %convert_element_type3A_125, %cond3A_126 : i32
      scf.if %cond3A_127 {
        %add3A_128 = arith.constant 1 : i32
        %add3A_129 = arith.addi %scan3A_90, %add3A_128 : i32
        %lt3A_130 = arith.constant 78 : i32
        %lt3A_131 = arith.cmpi slt, %add3A_129, %lt3A_130 : i32
        %convert_element_type3A_132 = arith.extui %lt3A_131 : i1 to i32
        %cond3A_133 = arith.constant 0 : i32
        %cond3A_134 = arith.cmpi ne, %convert_element_type3A_132, %cond3A_133 : i32
        scf.if %cond3A_134 {
          %ge3A = arith.constant 1 : i32
          %ge3A_155 = arith.cmpi sge, %scan3A_90, %ge3A : i32
          %convert_element_type3A_156 = arith.extui %ge3A_155 : i1 to i32
          %cond3A_157 = arith.constant 0 : i32
          %cond3A_158 = arith.cmpi ne, %convert_element_type3A_156, %cond3A_157 : i32
          scf.if %cond3A_158 {
            %dma_wait3A_172 = arith.constant 0 : i32
            %dma_wait3A_173 = arith.constant 0 : i32
            %dma_wait3A_174 = tpu.memref_slice %arg4[%dma_wait3A_172, %dma_wait3A_173] : memref<320000x128xf32, #tpu.memory_space<hbm>> -> memref<128x128xf32, #tpu.memory_space<hbm>>
            %dma_wait3A_175 = arith.constant 0 : i32
            %dma_wait3A_176 = arith.constant 0 : i32
            %dma_wait3A_177 = tpu.memref_slice %arg4[%dma_wait3A_175, %dma_wait3A_176] : memref<320000x128xf32, #tpu.memory_space<hbm>> -> memref<128x128xf32, #tpu.memory_space<hbm>>
            tpu.wait_dma2 semaphore(%arg11 : memref<!tpu.dma_semaphore, #tpu.memory_space<semaphore_mem>>) src(%arg7 : memref<128x128xf32, #tpu.memory_space<vmem>>) dst(%dma_wait3A_177 : memref<128x128xf32, #tpu.memory_space<hbm>>)
          } else {
          }
          %add3A_159 = arith.constant 1 : i32
          %add3A_160 = arith.addi %scan3A_90, %add3A_159 : i32
          %mul3A_161 = arith.constant 128 : i32
          %mul3A_162 = arith.muli %add3A_160, %mul3A_161 : i32
          %add3A_163 = arith.constant 0 : i32
          %add3A_164 = arith.addi %mul3A_162, %add3A_163 : i32
          %dma_start3A_165 = arith.constant 0 : i32
          %dma_start3A_166 = arith.constant 0 : i32
          %dma_start3A_167 = tpu.memref_slice %arg7[%dma_start3A_165, %dma_start3A_166] : memref<128x128xf32, #tpu.memory_space<vmem>> -> memref<128x128xf32, #tpu.memory_space<vmem>>
          %dma_start3A_168 = tpu.memref_slice %arg6[%add3A_164] : memref<10000xi32, #tpu.memory_space<vmem>> -> memref<128xi32, #tpu.memory_space<vmem>>
          %dma_start3A_169 = arith.constant 0 : i32
          %dma_start3A_170 = arith.constant 0 : i32
          %dma_start3A_171 = tpu.memref_slice %arg5[%dma_start3A_169, %dma_start3A_170] : memref<10000x128xf32, #tpu.memory_space<vmem_shared>> -> memref<10000x128xf32, #tpu.memory_space<vmem_shared>>
          tpu.enqueue_indirect_dma source(%dma_start3A_171 : memref<10000x128xf32, #tpu.memory_space<vmem_shared>>) target(%dma_start3A_167 : memref<128x128xf32, #tpu.memory_space<vmem>>) offsets(%dma_start3A_168 : memref<128xi32, #tpu.memory_space<vmem>>) semaphore(%arg9 : memref<!tpu.dma_semaphore, #tpu.memory_space<semaphore_mem>>)
        } else {
        }
        %dma_wait3A_135 = arith.constant 0 : i32
        %dma_wait3A_136 = arith.constant 0 : i32
        %dma_wait3A_137 = tpu.memref_slice %arg8[%dma_wait3A_135, %dma_wait3A_136] : memref<128x128xf32, #tpu.memory_space<vmem>> -> memref<128x128xf32, #tpu.memory_space<vmem>>
        %dma_wait3A_138 = arith.constant 0 : i32
        %dma_wait3A_139 = arith.constant 0 : i32
        %dma_wait3A_140 = tpu.memref_slice %arg2[%dma_wait3A_138, %dma_wait3A_139] : memref<10000x128xf32, #tpu.memory_space<hbm>> -> memref<128x128xf32, #tpu.memory_space<hbm>>
        %dma_wait3A_141 = arith.constant 0 : i32
        %dma_wait3A_142 = arith.constant 0 : i32
        %dma_wait3A_143 = tpu.memref_slice %arg8[%dma_wait3A_141, %dma_wait3A_142] : memref<128x128xf32, #tpu.memory_space<vmem>> -> memref<128x128xf32, #tpu.memory_space<vmem>>
        %dma_wait3A_144 = arith.constant 0 : i32
        %dma_wait3A_145 = arith.constant 0 : i32
        %dma_wait3A_146 = tpu.memref_slice %arg2[%dma_wait3A_144, %dma_wait3A_145] : memref<10000x128xf32, #tpu.memory_space<hbm>> -> memref<128x128xf32, #tpu.memory_space<hbm>>
        tpu.wait_dma2 semaphore(%arg10 : memref<!tpu.dma_semaphore, #tpu.memory_space<semaphore_mem>>) src(%dma_wait3A_146 : memref<128x128xf32, #tpu.memory_space<hbm>>) dst(%dma_wait3A_143 : memref<128x128xf32, #tpu.memory_space<vmem>>)
        %mul3A_147 = arith.constant 128 : i32
        %mul3A_148 = arith.muli %scan3A_90, %mul3A_147 : i32
        %add3A_149 = arith.addi %mul3A_2, %mul3A_148 : i32
        %multiple_of3A_150 = tpu.assume_multiple %add3A_149, 8 : i32
        %dma_start3A_151 = arith.constant 0 : i32
        %dma_start3A_152 = tpu.memref_slice %arg4[%multiple_of3A_150, %dma_start3A_151] : memref<320000x128xf32, #tpu.memory_space<hbm>> -> memref<128x128xf32, #tpu.memory_space<hbm>>
        %dma_start3A_153 = arith.constant 0 : i32
        %dma_start3A_154 = tpu.memref_slice %arg4[%multiple_of3A_150, %dma_start3A_153] : memref<320000x128xf32, #tpu.memory_space<hbm>> -> memref<128x128xf32, #tpu.memory_space<hbm>>
        tpu.enqueue_dma source(%arg8 : memref<128x128xf32, #tpu.memory_space<vmem>>) target(%dma_start3A_154 : memref<128x128xf32, #tpu.memory_space<hbm>>) target_semaphore(%arg12 : memref<!tpu.dma_semaphore, #tpu.memory_space<semaphore_mem>>)
      } else {
      }
    }
    %scan3A_55 = arith.constant 78 : i32
    %dma_wait3A = arith.constant 0 : i32
    %dma_wait3A_56 = arith.constant 0 : i32
    %dma_wait3A_57 = tpu.memref_slice %arg4[%dma_wait3A, %dma_wait3A_56] : memref<320000x128xf32, #tpu.memory_space<hbm>> -> memref<128x128xf32, #tpu.memory_space<hbm>>
    %dma_wait3A_58 = arith.constant 0 : i32
    %dma_wait3A_59 = arith.constant 0 : i32
    %dma_wait3A_60 = tpu.memref_slice %arg4[%dma_wait3A_58, %dma_wait3A_59] : memref<320000x128xf32, #tpu.memory_space<hbm>> -> memref<128x128xf32, #tpu.memory_space<hbm>>
    tpu.wait_dma2 semaphore(%arg11 : memref<!tpu.dma_semaphore, #tpu.memory_space<semaphore_mem>>) src(%arg7 : memref<128x128xf32, #tpu.memory_space<vmem>>) dst(%dma_wait3A_60 : memref<128x128xf32, #tpu.memory_space<hbm>>)
    %add3A_61 = arith.constant 9984 : i32
    %add3A_62 = arith.addi %mul3A_2, %add3A_61 : i32
    %multiple_of3A_63 = tpu.assume_multiple %add3A_62, 8 : i32
    %dma_start3A_64 = arith.constant 0 : i32
    %dma_start3A_65 = arith.constant 0 : i32
    %dma_start3A_66 = tpu.memref_slice %arg7[%dma_start3A_64, %dma_start3A_65] : memref<128x128xf32, #tpu.memory_space<vmem>> -> memref<16x128xf32, #tpu.memory_space<vmem>>
    %dma_start3A_67 = arith.constant 9984 : i32
    %dma_start3A_68 = tpu.memref_slice %arg6[%dma_start3A_67] : memref<10000xi32, #tpu.memory_space<vmem>> -> memref<16xi32, #tpu.memory_space<vmem>>
    %dma_start3A_69 = arith.constant 0 : i32
    %dma_start3A_70 = arith.constant 0 : i32
    %dma_start3A_71 = tpu.memref_slice %arg5[%dma_start3A_69, %dma_start3A_70] : memref<10000x128xf32, #tpu.memory_space<vmem_shared>> -> memref<10000x128xf32, #tpu.memory_space<vmem_shared>>
    tpu.enqueue_indirect_dma source(%dma_start3A_71 : memref<10000x128xf32, #tpu.memory_space<vmem_shared>>) target(%dma_start3A_66 : memref<16x128xf32, #tpu.memory_space<vmem>>) offsets(%dma_start3A_68 : memref<16xi32, #tpu.memory_space<vmem>>) semaphore(%arg9 : memref<!tpu.dma_semaphore, #tpu.memory_space<semaphore_mem>>)
    %dma_wait3A_72 = arith.constant 0 : i32
    %dma_wait3A_73 = arith.constant 0 : i32
    %dma_wait3A_74 = tpu.memref_slice %arg4[%dma_wait3A_72, %dma_wait3A_73] : memref<320000x128xf32, #tpu.memory_space<hbm>> -> memref<128x128xf32, #tpu.memory_space<hbm>>
    %dma_wait3A_75 = arith.constant 0 : i32
    %dma_wait3A_76 = arith.constant 0 : i32
    %dma_wait3A_77 = tpu.memref_slice %arg4[%dma_wait3A_75, %dma_wait3A_76] : memref<320000x128xf32, #tpu.memory_space<hbm>> -> memref<128x128xf32, #tpu.memory_space<hbm>>
    tpu.wait_dma2 semaphore(%arg12 : memref<!tpu.dma_semaphore, #tpu.memory_space<semaphore_mem>>) src(%arg8 : memref<128x128xf32, #tpu.memory_space<vmem>>) dst(%dma_wait3A_77 : memref<128x128xf32, #tpu.memory_space<hbm>>)
    %dma_wait3A_78 = arith.constant 0 : i32
    %dma_wait3A_79 = arith.constant 0 : i32
    %dma_wait3A_80 = tpu.memref_slice %arg7[%dma_wait3A_78, %dma_wait3A_79] : memref<128x128xf32, #tpu.memory_space<vmem>> -> memref<16x128xf32, #tpu.memory_space<vmem>>
    %dma_wait3A_81 = arith.constant 0 : i32
    %dma_wait3A_82 = arith.constant 0 : i32
    %dma_wait3A_83 = tpu.memref_slice %arg2[%dma_wait3A_81, %dma_wait3A_82] : memref<10000x128xf32, #tpu.memory_space<hbm>> -> memref<16x128xf32, #tpu.memory_space<hbm>>
    %dma_wait3A_84 = arith.constant 0 : i32
    %dma_wait3A_85 = arith.constant 0 : i32
    %dma_wait3A_86 = tpu.memref_slice %arg7[%dma_wait3A_84, %dma_wait3A_85] : memref<128x128xf32, #tpu.memory_space<vmem>> -> memref<16x128xf32, #tpu.memory_space<vmem>>
    %dma_wait3A_87 = arith.constant 0 : i32
    %dma_wait3A_88 = arith.constant 0 : i32
    %dma_wait3A_89 = tpu.memref_slice %arg2[%dma_wait3A_87, %dma_wait3A_88] : memref<10000x128xf32, #tpu.memory_space<hbm>> -> memref<16x128xf32, #tpu.memory_space<hbm>>
    tpu.wait_dma2 semaphore(%arg9 : memref<!tpu.dma_semaphore, #tpu.memory_space<semaphore_mem>>) src(%dma_wait3A_89 : memref<16x128xf32, #tpu.memory_space<hbm>>) dst(%dma_wait3A_86 : memref<16x128xf32, #tpu.memory_space<vmem>>)
    "tpu.region"() ({
      %run_scoped3A = tpu.sem_alloc : memref<!tpu.dma_semaphore, #tpu.memory_space<semaphore_mem>>
      %dma_start3A_90 = arith.constant 0 : i32
      %dma_start3A_91 = arith.constant 0 : i32
      %dma_start3A_92 = tpu.memref_slice %arg7[%dma_start3A_90, %dma_start3A_91] : memref<128x128xf32, #tpu.memory_space<vmem>> -> memref<16x128xf32, #tpu.memory_space<vmem>>
      %dma_start3A_93 = arith.constant 0 : i32
      %dma_start3A_94 = tpu.memref_slice %arg4[%multiple_of3A_63, %dma_start3A_93] : memref<320000x128xf32, #tpu.memory_space<hbm>> -> memref<16x128xf32, #tpu.memory_space<hbm>>
      %dma_start3A_95 = arith.constant 0 : i32
      %dma_start3A_96 = tpu.memref_slice %arg4[%multiple_of3A_63, %dma_start3A_95] : memref<320000x128xf32, #tpu.memory_space<hbm>> -> memref<16x128xf32, #tpu.memory_space<hbm>>
      %dma_start3A_97 = arith.constant 0 : i32
      %dma_start3A_98 = arith.constant 0 : i32
      %dma_start3A_99 = tpu.memref_slice %arg7[%dma_start3A_97, %dma_start3A_98] : memref<128x128xf32, #tpu.memory_space<vmem>> -> memref<16x128xf32, #tpu.memory_space<vmem>>
      tpu.enqueue_dma source(%dma_start3A_99 : memref<16x128xf32, #tpu.memory_space<vmem>>) target(%dma_start3A_96 : memref<16x128xf32, #tpu.memory_space<hbm>>) target_semaphore(%run_scoped3A : memref<!tpu.dma_semaphore, #tpu.memory_space<semaphore_mem>>)
      %dma_wait3A_100 = arith.constant 0 : i32
      %dma_wait3A_101 = arith.constant 0 : i32
      %dma_wait3A_102 = tpu.memref_slice %arg7[%dma_wait3A_100, %dma_wait3A_101] : memref<128x128xf32, #tpu.memory_space<vmem>> -> memref<16x128xf32, #tpu.memory_space<vmem>>
      %dma_wait3A_103 = arith.constant 0 : i32
      %dma_wait3A_104 = tpu.memref_slice %arg4[%multiple_of3A_63, %dma_wait3A_103] : memref<320000x128xf32, #tpu.memory_space<hbm>> -> memref<16x128xf32, #tpu.memory_space<hbm>>
      %dma_wait3A_105 = arith.constant 0 : i32
      %dma_wait3A_106 = tpu.memref_slice %arg4[%multiple_of3A_63, %dma_wait3A_105] : memref<320000x128xf32, #tpu.memory_space<hbm>> -> memref<16x128xf32, #tpu.memory_space<hbm>>
      %dma_wait3A_107 = arith.constant 0 : i32
      %dma_wait3A_108 = arith.constant 0 : i32
      %dma_wait3A_109 = tpu.memref_slice %arg7[%dma_wait3A_107, %dma_wait3A_108] : memref<128x128xf32, #tpu.memory_space<vmem>> -> memref<16x128xf32, #tpu.memory_space<vmem>>
      tpu.wait_dma2 semaphore(%run_scoped3A : memref<!tpu.dma_semaphore, #tpu.memory_space<semaphore_mem>>) src(%dma_wait3A_109 : memref<16x128xf32, #tpu.memory_space<vmem>>) dst(%dma_wait3A_106 : memref<16x128xf32, #tpu.memory_space<hbm>>)
      tpu.yield
    }) : () -> ()
    return
  }
}

</mosaic_0001>

<sc_bundles>
// kernel: kernel.3.cloned.1.call-start
scs
__scs_entry_jumppad:
0x0: {  	(pc) =	sbr.rel $0x88, $3  }
0x1: {  	(tag) =	ssettag $0x0;
	lr =	simm.s32 $0x1  }
0x2: {  	[smem:$0x3F9F] =	sst lr;
	_ =	strace $0xD0000000  }
0x3: {  	_ = 	snop  }
0x4: {  	_ = 	snop  }
0x5: {  	_ = 	snop  }
0x6: {  	_ = 	snop  }
0x7: {  	_ = 	snop  }
__scs_overlays_trampoline_lowered:
0x8: {  	[smem:$0x3FAE] =	sst s0  }
0x9: {  	[smem:$0x3FAF] =	sst s1  }
0xa: {  	[smem:$0x3FB0] =	sst s2  }
0xb: {  	[smem:$0x3FB1] =	sst s3  }
0xc: {  	[smem:$0x3FB2] =	sst s4  }
0xd: {  	[smem:$0x3FB3] =	sst s5  }
0xe: {  	[smem:$0x3FB4] =	sst s6  }
0xf: {  	[smem:$0x3FB5] =	sst s7  }
0x10: {  	[smem:$0x3FB6] =	sst s8  }
0x11: {  	[smem:$0x3FB7] =	sst s9;
	s0 =	simm.s32 @!p0 $0x0  }
0x12: {  	s1 =	sld [smem:$0x3F9D];
	s0 =	simm.s32 @p0 $0x1  }
0x13: {  	[smem:$0x3FB8] =	sst s0;
	s0 =	simm.s32 @!p1 $0x0  }
0x14: {  	s2 =	sld [smem:$0x3F9C];
	s0 =	simm.s32 @p1 $0x1  }
0x15: {  	[smem:$0x3FB9] =	sst s0;
	s0 =	simm.s32 @!p2 $0x0  }
0x16: {  	s3 =	sld [smem:$0x3FDB];
	s0 =	simm.s32 @p2 $0x1  }
0x17: {  	s4 =	simm.s32 $0x1BF5;
	[smem:$0x3FBB] =	sst s0  }
0x18: {  	s0 =	sld [smem:$0x3F9E];
	_ =	swait.ge [sflag:s4], $0x0  }
0x19: {  	s7 =	sld [smem:$0x3F9F]  }
0x1a: {  	s8 =	sadd.s32 $0xFFFFE003, lr  }
0x1b: {  	s9 =	sadd.s32 $0xFFFFFEF7, lr;
	s5 =	simm.s32 $0xFFFFFFFF;
	p2 =	slt.u32 s8, $0xFFFFF086  }
0x1c: {  	p1 =	slt.u32 s9, $0xF7A;
	s5 =	simm.s32 @!p2 $0x0  }
0x1d: {  	s5 =	simm.s32 @p1 $0x1;
	p0 =	seq.s32 s7, s2  }
0x1e: {  	s7 =	smul.u32 @!p0 $0xF7A, s2;
	p2 =	seq.s32 @!p0 s5, $0x0  }
0x1f: {  	s9 =	smul.u32 $0xF7A, s1;
	s8 =	simm.s32 @!p0 $0x1BF5;
	p2 =	por !p2, p0  }
0x20: {  	[sflag:s8] =	ssyncset.s32 @!p0 $0xFFFFF086;
	s6 =	sadd.s32 @!p0 s3, s7;
	s7 =	simm.s32 @!p0 $0x108  }
0x21: {  	s3 =	sadd.s32 s3, s9;
	s6 =	sadd.s32 @!p0 $0x88, s6;
	s7 =	simm.s32 @p2 $0x1082  }
0x22: {  	[simem:s7], [sflag:s8] =	dma.local @!p0 [hbm:s6], $0xF7A  }
0x23: {  	s9 =	sor.u32 $0xD0000000, s2;
	s6 =	simm.s32 $0x108;
	_ =	swait.ge @!p0 [sflag:s8], $0x0  }
0x24: {  	s3 =	sadd.s32 $0x88, s3;
	s6 =	simm.s32 @!p1 $0x1082;
	[sflag:s4] =	ssyncset.s32 $0xFFFFF086  }
0x25: {  	[simem:s6], [sflag:s4] =	dma.local [hbm:s3], $0xF7A  }
0x26: {  	[smem:$0x3F9F] =	sst s1;
	(tag) =	ssettag s2;
	_ =	strace s9  }
0x27: {  	s1 =	sld [smem:$0x3FAF]  }
0x28: {  	s2 =	sld [smem:$0x3FB0]  }
0x29: {  	s4 =	sld [smem:$0x3FB2]  }
0x2a: {  	p0 =	seq.s32 s5, $0x0;
	s5 =	sld [smem:$0x3FB3]  }
0x2b: {  	s6 =	sld [smem:$0x3FB4]  }
0x2c: {  	s7 =	sld [smem:$0x3FB5]  }
0x2d: {  	s3 =	simm.s32 $0x108;
	s8 =	sld [smem:$0x3FB6]  }
0x2e: {  	s3 =	simm.s32 @!p0 $0x1082;
	s9 =	sld [smem:$0x3FB7]  }
0x2f: {  	lr =	sadd.s32 s0, s3;
	s0 =	sld [smem:$0x3FAE]  }
0x30: {  	s3 =	sld [smem:$0x3FB1]  }
0x31: {  	[smem:$0x3FBA] =	sst s10  }
0x32: {  	s10 =	sld [smem:$0x3FB8];
	_ =	sdelay $0x3  }
0x33: {  	p0 =	seq.s32 s10, $0x1;
	s10 =	sld [smem:$0x3FBA];
	_ =	sdelay $0x3  }
0x34: {  	[smem:$0x3FBA] =	sst s10  }
0x35: {  	s10 =	sld [smem:$0x3FB9];
	_ =	sdelay $0x3  }
0x36: {  	p1 =	seq.s32 s10, $0x1;
	s10 =	sld [smem:$0x3FBA];
	_ =	sdelay $0x3  }
0x37: {  	[smem:$0x3FBA] =	sst s10  }
0x38: {  	s10 =	sld [smem:$0x3FBB]  }
0x39: {  	_ = 	snop;
	(pc) =	sbr.ind lr, $3  }
0x3a: {  	_ = 	snop  }
0x3b: {  	_ = 	snop  }
0x3c: {  	p2 =	seq.s32 s10, $0x1;
	s10 =	sld [smem:$0x3FBA]  }
0x3d: {  	_ =	shalt  }
0x3e: {  	_ =	shalt  }
0x3f: {  	_ =	shalt  }
0x40: {  	_ =	shalt  }
0x41: {  	_ =	shalt  }
0x42: {  	_ =	shalt  }
0x43: {  	_ =	shalt  }
0x44: {  	_ =	shalt  }
0x45: {  	_ =	shalt  }
0x46: {  	_ =	shalt  }
0x47: {  	_ =	shalt  }
0x48: {  	_ =	shalt  }
0x49: {  	_ =	shalt  }
0x4a: {  	_ =	shalt  }
0x4b: {  	_ =	shalt  }
0x4c: {  	_ =	shalt  }
0x4d: {  	_ =	shalt  }
0x4e: {  	_ =	shalt  }
0x4f: {  	_ =	shalt  }
0x50: {  	_ =	shalt  }
0x51: {  	_ =	shalt  }
0x52: {  	_ =	shalt  }
0x53: {  	_ =	shalt  }
0x54: {  	_ =	shalt  }
0x55: {  	_ =	shalt  }
0x56: {  	_ =	shalt  }
0x57: {  	_ =	shalt  }
0x58: {  	_ =	shalt  }
0x59: {  	_ =	shalt  }
0x5a: {  	_ =	shalt  }
0x5b: {  	_ =	shalt  }
0x5c: {  	_ =	shalt  }
0x5d: {  	_ =	shalt  }
0x5e: {  	_ =	shalt  }
0x5f: {  	_ =	shalt  }
0x60: {  	_ =	shalt  }
0x61: {  	_ =	shalt  }
0x62: {  	_ =	shalt  }
0x63: {  	_ =	shalt  }
0x64: {  	_ =	shalt  }
0x65: {  	_ =	shalt  }
0x66: {  	_ =	shalt  }
0x67: {  	_ =	shalt  }
0x68: {  	_ =	shalt  }
0x69: {  	_ =	shalt  }
0x6a: {  	_ =	shalt  }
0x6b: {  	_ =	shalt  }
0x6c: {  	_ =	shalt  }
0x6d: {  	_ =	shalt  }
0x6e: {  	_ =	shalt  }
0x6f: {  	_ =	shalt  }
0x70: {  	_ =	shalt  }
0x71: {  	_ =	shalt  }
0x72: {  	_ =	shalt  }
0x73: {  	_ =	shalt  }
0x74: {  	_ =	shalt  }
0x75: {  	_ =	shalt  }
0x76: {  	_ =	shalt  }
0x77: {  	_ =	shalt  }
0x78: {  	_ =	shalt  }
0x79: {  	_ =	shalt  }
0x7a: {  	_ =	shalt  }
0x7b: {  	_ =	shalt  }
0x7c: {  	_ =	shalt  }
0x7d: {  	_ =	shalt  }
0x7e: {  	_ =	shalt  }
0x7f: {  	_ =	shalt  }
0x80: {  	_ =	shalt  }
0x81: {  	_ =	shalt  }
0x82: {  	_ =	shalt  }
0x83: {  	_ =	shalt  }
0x84: {  	_ =	shalt  }
0x85: {  	_ =	shalt  }
0x86: {  	_ =	shalt  }
0x87: {  	_ =	shalt  }
.Lfunc_end0:
.L_simem_size_0:
called_computation_lowered:
.L_overlay_start_0:
0x88: {  	s2 =	sld [smem:$0x3FD9]  }
0x89: {  	s3 =	sld [smem:$0x3FFE];
	_ =	sdelay $0x1  }
0x8a: {  	s1 =	srdreg.scid  }
0x8b: {  	s0 =	sand.u32 $0x1, s1  }
0x8c: {  	s17 =	sshll.u32 s0, $0xA;
	s2 =	sadd.s32 s3, s2  }
0x8d: {  	s2 =	sadd.s32 s2, s17  }
0x8e: {  	[smem:$0x3FC6] =	sst s2  }
0x8f: {  	_ = 	snop  }
0x90: {  	s2 =	sld [smem:$0x3FC9]  }
0x91: {  	s18 =	sld [smem:$0x3FD0];
	(tm) =	ssettm $0x1  }
0x92: {  	s4 =	sld [smem:$0x3FFB];
	_ =	sdelay $0x3  }
0x93: {  	_ =	strace s4  }
0x94: {  	s4 =	sld [smem:$0x3FFC];
	_ =	sdelay $0x3  }
0x95: {  	_ =	strace s4  }
0x96: {  	s4 =	sld [smem:$0x3FFD];
	_ =	sdelay $0x3  }
0x97: {  	_ =	strace s4  }
0x98: {  	_ =	strace $0x8FFFFFFF  }
0x99: {  	s19 =	sld [smem:$0x3FDB];
	_ =	sdelay $0x1  }
0x9a: {  	s5 =	simm.s32 $_scs_section_size  }
0x9b: {  	s6 =	simm.s32 $_size__tile_overlayer_lowered;
	s7 =	simm.s32 $_tile_overlayer_lowered  }
0x9c: {  	s22 =	simm.s32 $0x1BFF;
	s21 =	sshll.u32 s7, $0x1;
	s4 =	sadd.s32 s5, s19  }
0x9d: {  	s8 =	simm.s32 $0x0;
	s20 =	sshll.u32 s6, $0x1;
	s6 =	sadd.s32 s21, s4  }
0x9e: {  	[timem:s8], [sflag:s22] =	dma.local [hbm:s6], s20  }
0x9f: {  	_ =	swait.ge [sflag:s22], s20  }
0xa0: {  	s5 =	ssub.s32 $0x0, s20;
	[sflag:s22] =	ssyncset.done $0x0  }
0xa1: {  	[sflag:s22] =	ssyncadd.s32 s5;
	_ =	sdelay $0x1  }
0xa2: {  	s23 =	simm.s32 $0x1B8B  }
0xa3: {  	_ =	swait.ge [sflag:s23], $0x1  }
0xa4: {  	[sflag:s23] =	ssyncset.done $0x0  }
0xa5: {  	s25 =	simm.s32 $0x1B8E;
	s24 =	sld [smem:$0x3FFE];
	[sflag:s23] =	ssyncadd.s32 $0xFFFFFFFF  }
0xa6: {  	s26 =	simm.s32 $execute0_lowered;
	[smem:$0x3FD2] =	sst s25  }
0xa7: {  	s6 =	sshll.u32 s26, $0x1;
	_ =	strace $0x80000046;
	[dreg:$0x1] =	wrdreg $0xFFFFFFFF  }
0xa8: {  	s28 =	simm.s32 $_size_execute0_lowered;
	s4 =	sadd.s32 s4, s6;
	[dreg:$0x0] =	wrdreg $0x0  }
0xa9: {  	s6 =	sshll.u32 s28, $0x1;
	[dreg:$0x2] =	wrdreg s4  }
0xaa: {  	[dreg:$0x3] =	wrdreg s6  }
0xab: {  	[dreg:$0x4] =	wrdreg $0xC0  }
0xac: {  	_ =	task [dreg:s8], $0x5FFFF  }
0xad: {  	[dreg:$0x1] =	wrdreg $0xFFFFFFFF  }
0xae: {  	[dreg:$0x0] =	wrdreg $0x60  }
0xaf: {  	[dreg:$0x2] =	wrdreg s2  }
0xb0: {  	[dreg:$0x3] =	wrdreg s24  }
0xb1: {  	[dreg:$0x4] =	wrdreg s18  }
0xb2: {  	[dreg:$0x5] =	wrdreg $0x0  }
0xb3: {  	[dreg:$0x6] =	wrdreg $0x9  }
0xb4: {  	_ =	task.clear_ibuf [dreg:s8], $0x7FFFF;
	_ =	strace $0x90000046  }
0xb5: {  	s29 =	simm.s32 $0x9;
	_ =	strace $0x80000048  }
0xb6: {  	_ =	swait.ge [sflag:s29], $0x1  }
0xb7: {  	[sflag:s29] =	ssyncadd.s32 $0xFFFFFFFF  }
0xb8: {  	_ =	strace $0x90000048  }
0xb9: {  	_ =	sfence  }
0xba: {  	s30 =	sld [smem:$0x0];
	_ =	sdelay $0x2  }
0xbb: {  	s31 =	sshll.u32 s1, $0xD;
	s1 =	sshrl.u32 s1, $0x2  }
0xbc: {  	s3 =	sand.u32 $0x4000, s31;
	s1 =	sadd.s32 s1, s30  }
0xbd: {  	s0 =	sor.u32 s3, s0;
	s1 =	sshll.u32 s1, $0x11  }
0xbe: {  	s0 =	sor.u32 s1, s0  }
0xbf: {  	s0 =	sadd.s32 $0x8F2B, s0  }
0xc0: {  	[sflag:s0] =	ssyncadd.remote.s32 $0x1  }
0xc1: {  	_ =	sfence.sel $0xFFFF  }
0xc2: {  	[dreg:$0x0] =	wrdreg $0xFFFFFFFF;
	(pc) =	sbr.abs _section_cstart, $3  }
0xc3: {  	[dreg:$0x1] =	wrdreg $0xFFFFFFFF  }
0xc4: {  	_ =	task.clear_ibuf [dreg:s8], $0x2FFFF;
	_ =	strace $0x9FFFFFFF  }
0xc5: {  	(tm) =	ssettm $0x7FFFFFFF  }
tec
execute0_lowered:
.L_overlay_start_1:
0x0: {  	(tag) =	ssettag $0x1  }
0x1: {  	s0 =	rddreg [dreg:$0x0]  }
0x2: {  	s1 =	rddreg [dreg:$0x1]  }
0x3: {  	s5 =	rddreg [dreg:$0x2]  }
0x4: {  	s3 =	srdreg.scid;
	s20 =	stileid.u32  }
0x5: {  	s2 =	rddreg [dreg:$0x3];
	s21 =	simm.s32 $0x13880;
	s22 =	simm.s32 $0x5  }
0x6: {  	s28 =	simm.s32 $0x80;
	s29 =	simm.s32 $0x3;
	s6 =	sand.u32 $0x1, s3  }
0x7: {  	s4 =	sshll.u32 s20, $0x1;
	s3 =	simm.s32 $0x0;
	s10 =	sshll.u32 s20, $0xB  }
0x8: {  	s24 =	sshll.u32 s20, $0xE;
	s16 =	smul.u32 $0x271000, s20;
	s15 =	sadd.s32 $0x27000, s0  }
0x9: {  	p0 =	sgt.u32 s20, $0xD;
	s9 =	sor.u32 s6, s4;
	[smem:$0x7FF] =	sst s3  }
0xa: {  	s7 =	ssub.s32 $0x2, s6;
	s6 =	smul.u32 $0x138800, s6;
	p1 =	sne.s32 @!p0 s20, $0x0  }
0xb: {  	s4 =	smul.u32 $0x4E2, s9;
	_ =	strace $0x80000047;
	s8 =	sshrl.u32 s7, $0x1  }
0xc: {  	s25 =	smul.u32 $0x138800, s9;
	p1 =	por p1, p0;
	s18 =	ssub.s32 s7, s8  }
0xd: {  	s7 =	sadd.s32 s24, s2;
	s30 =	sadd.s32 s6, s16;
	s16 =	sadd.s32 $0x138000, s2  }
0xe: {  	s24 =	simm.s32 $0x1;
	s1 =	sadd.s32 s4, s1;
	s4 =	sadd.s32 s0, s10  }
0xf: {  	s9 =	sadd.s32 $0x40000, s7;
	s11 =	sadd.s32 $0x80000, s7;
	s12 =	sadd.s32 $0xC0000, s7  }
0x10: {  	s14 =	sadd.s32 $0x100000, s7;
	s18 =	smax.u32 s18, $0x1;
	s0 =	simm.s32 $0x0  }
0x11: {  	s1 =	sadd.s32 $0x400, s1;
	s23 =	sadd.s32 $0x8000, s4;
	s8 =	sadd.s32 $0x10000, s4  }
.Ltmp0:
0x12: {  	s10 =	sadd.s32 $0x18000, s4;
	[dreg:$0x5] =	wrdreg s1;
	(pc) =	sbr.rel .LBB2_1-.Ltmp0, $4  }
0x13: {  	s13 =	sadd.s32 $0x20000, s4;
	[dreg:$0x6] =	wrdreg s23;
	s1 =	sshrl.u32 s25, $0x3  }
0x14: {  	s23 =	simm.s32 $0x16000;
	s25 =	simm.s32 $0x1A000;
	s26 =	sadd.s32 s5, s1  }
0x15: {  	s1 =	sshrl.u32 s30, $0x3;
	s17 =	sadd.s32 $0x27000, s26;
	s19 =	sadd.s32 $0x26800, s26  }
0x16: {  	s31 =	sadd.s32 s1, s5;
	s26 =	simm.s32 $0x2;
	s1 =	simm.s32 $0x4  }
.LBB2_10:
0x17: {  	_ =	swait.ge [sflag:s26], $0x4000  }
0x18: {  	[sflag:s26] =	ssyncset.done $0x0  }
0x19: {  	[sflag:s26] =	ssyncadd.s32 $0xFFFFC000  }
0x1a: {  	[hbm4b:s19+s3] =	stream.linear.scatter [tilespmem:s25], [sflag:$0x4], $0x4000, $0x38;
	[tilespmem:$0x1E000] =	vst v63  }
0x1b: {  	_ =	swait.ge [sflag:s29], $0x4000  }
0x1c: {  	[sflag:s29] =	ssyncset.done $0x0  }
0x1d: {  	s5 =	simm.s32 $0x10;
	s6 =	simm.s32 $0x15F80;
	[sflag:s29] =	ssyncadd.s32 $0xFFFFC000  }
0x1e: {  	[tilespmem:s23], [sflag:$0x1] =	stream.indirect.gather [spmem:s2], $0x80, s6, s5, $0xb8;
	[tilespmem:$0x1E000] =	vst v63  }
0x1f: {  	_ =	swait.ge [sflag:s1], $0x4000  }
0x20: {  	[sflag:s1] =	ssyncset.done $0x0  }
0x21: {  	[sflag:s1] =	ssyncadd.s32 $0xFFFFC000  }
0x22: {  	s0 =	sadd.s32 $0x1, s0;
	_ =	swait.ge [sflag:s24], $0x800  }
0x23: {  	p2 =	sne.s32 s0, s18;
	[sflag:s24] =	ssyncset.done $0x0  }
.Ltmp1:
0x24: {  	[sflag:s24] =	ssyncadd.s32 $0xFFFFF800;
	(pc) =	sbr.rel @!p2 .LBB2_11-.Ltmp1, $4  }
0x25: {  	[hbm4b:s17+s3] =	stream.linear.scatter [tilespmem:s23], [sflag:$0x5], $0x800, $0x38;
	[tilespmem:$0x1E000] =	vst v63  }
0x26: {  	_ =	swait.ge [sflag:s22], $0x800  }
0x27: {  	[sflag:s22] =	ssyncset.done $0x0  }
0x28: {  	[sflag:s22] =	ssyncadd.s32 $0xFFFFF800  }
.LBB2_1:
0x29: {  	s5 =	rddreg [dreg:$0x5]  }
0x2a: {  	[tilespmem:s21], [sflag:$0x5] =	stream.linear.gather [hbm4b:s5+s3], $0x2710, $0x38;
	[tilespmem:$0x1E000] =	vst v63  }
0x2b: {  	_ =	swait.ge [sflag:s22], $0x2710  }
0x2c: {  	[sflag:s22] =	ssyncset.done $0x0  }
0x2d: {  	[sflag:s22] =	ssyncadd.s32 $0xFFFFD8F0  }
0x2e: {  	[tilespmem:s23], [sflag:$0x1] =	stream.linear.gather [hbm4b:s4+s3], $0x4000, $0x38;
	[tilespmem:$0x1E000] =	vst v63  }
0x2f: {  	_ =	swait.ge [sflag:s24], $0x4000  }
0x30: {  	[sflag:s24] =	ssyncset.done $0x0  }
0x31: {  	s20 =	rddreg [dreg:$0x6];
	[sflag:s24] =	ssyncadd.s32 $0xFFFFC000  }
0x32: {  	[tilespmem:s25], [sflag:$0x2] =	stream.linear.gather [hbm4b:s20+s3], $0x4000, $0x38;
	[tilespmem:$0x1E000] =	vst v63  }
0x33: {  	_ = 	snop  }
0x34: {  	[spmem:s7] =	stream.linear.scatter [tilespmem:s23], [sflag:$0x5], $0x4000, $0x38;
	[tilespmem:$0x1E000] =	vst v63  }
0x35: {  	_ =	swait.ge [sflag:s22], $0x4000  }
0x36: {  	[sflag:s22] =	ssyncset.done $0x0  }
0x37: {  	[sflag:s22] =	ssyncadd.s32 $0xFFFFC000  }
0x38: {  	_ =	swait.ge [sflag:s26], $0x4000  }
0x39: {  	[sflag:s26] =	ssyncset.done $0x0  }
0x3a: {  	[sflag:s26] =	ssyncadd.s32 $0xFFFFC000  }
0x3b: {  	[tilespmem:s23], [sflag:$0x1] =	stream.linear.gather [hbm4b:s8+s3], $0x4000, $0x38;
	[tilespmem:$0x1E000] =	vst v63  }
0x3c: {  	_ = 	snop  }
0x3d: {  	[spmem:s9] =	stream.linear.scatter [tilespmem:s25], [sflag:$0x5], $0x4000, $0x38;
	[tilespmem:$0x1E000] =	vst v63  }
0x3e: {  	_ =	swait.ge [sflag:s22], $0x4000  }
0x3f: {  	[sflag:s22] =	ssyncset.done $0x0  }
0x40: {  	[sflag:s22] =	ssyncadd.s32 $0xFFFFC000  }
0x41: {  	_ =	swait.ge [sflag:s24], $0x4000  }
0x42: {  	[sflag:s24] =	ssyncset.done $0x0  }
0x43: {  	[sflag:s24] =	ssyncadd.s32 $0xFFFFC000  }
0x44: {  	[tilespmem:s25], [sflag:$0x2] =	stream.linear.gather [hbm4b:s10+s3], $0x4000, $0x38;
	[tilespmem:$0x1E000] =	vst v63  }
0x45: {  	_ = 	snop  }
0x46: {  	[spmem:s11] =	stream.linear.scatter [tilespmem:s23], [sflag:$0x5], $0x4000, $0x38;
	[tilespmem:$0x1E000] =	vst v63  }
0x47: {  	_ =	swait.ge [sflag:s22], $0x4000  }
0x48: {  	[sflag:s22] =	ssyncset.done $0x0  }
0x49: {  	[sflag:s22] =	ssyncadd.s32 $0xFFFFC000  }
0x4a: {  	_ =	swait.ge [sflag:s26], $0x4000  }
0x4b: {  	[sflag:s26] =	ssyncset.done $0x0  }
0x4c: {  	s5 =	simm.s32 @p0 $0x1A000;
	[sflag:s26] =	ssyncadd.s32 $0xFFFFC000  }
0x4d: {  	[spmem:s12] =	stream.linear.scatter @p0 [tilespmem:s5], [sflag:$0x5], $0x4000, $0x38;
	[tilespmem:$0x1E000] =	vst v63  }
0x4e: {  	s5 =	simm.s32 @p0 $0x5  }
0x4f: {  	_ =	swait.ge @p0 [sflag:s5], $0x4000  }
0x50: {  	[sflag:s5] =	ssyncset.done @p0 $0x0  }
0x51: {  	s6 =	simm.s32 @!p0 $0x16000;
	[sflag:s5] =	ssyncadd.s32 @p0 $0xFFFFC000;
	s5 =	simm.s32 @!p0 $0x0  }
0x52: {  	[tilespmem:s6], [sflag:$0x1] =	stream.linear.gather @!p0 [hbm4b:s13+s5], $0x4000, $0x38;
	[tilespmem:$0x1E000] =	vst v63  }
0x53: {  	s5 =	simm.s32 @!p0 $0x1A000  }
0x54: {  	[spmem:s12] =	stream.linear.scatter @!p0 [tilespmem:s5], [sflag:$0x5], $0x4000, $0x38;
	[tilespmem:$0x1E000] =	vst v63  }
0x55: {  	s5 =	simm.s32 @!p0 $0x5  }
0x56: {  	_ =	swait.ge @!p0 [sflag:s5], $0x4000  }
0x57: {  	[sflag:s5] =	ssyncset.done @!p0 $0x0  }
0x58: {  	s20 =	simm.s32 @!p0 $0x1;
	[sflag:s5] =	ssyncadd.s32 @!p0 $0xFFFFC000  }
0x59: {  	_ =	swait.ge @!p0 [sflag:s20], $0x4000  }
0x5a: {  	[sflag:s20] =	ssyncset.done @!p0 $0x0  }
0x5b: {  	[sflag:s20] =	ssyncadd.s32 @!p0 $0xFFFFC000  }
0x5c: {  	[spmem:s14] =	stream.linear.scatter @!p0 [tilespmem:s6], [sflag:$0x5], $0x4000, $0x38;
	[tilespmem:$0x1E000] =	vst v63  }
0x5d: {  	_ =	swait.ge @!p0 [sflag:s5], $0x4000  }
0x5e: {  	[sflag:s5] =	ssyncset.done @!p0 $0x0  }
0x5f: {  	s6 =	simm.s32 @!p1 $0x16000;
	[sflag:s5] =	ssyncadd.s32 @!p0 $0xFFFFC000;
	s5 =	simm.s32 @!p1 $0x0  }
0x60: {  	[tilespmem:s6], [sflag:$0x5] =	stream.linear.gather @!p1 [hbm4b:s15+s5], $0x800, $0x38;
	[tilespmem:$0x1E000] =	vst v63  }
0x61: {  	s5 =	simm.s32 @!p1 $0x5  }
0x62: {  	_ =	swait.ge @!p1 [sflag:s5], $0x800  }
0x63: {  	[sflag:s5] =	ssyncset.done @!p1 $0x0  }
0x64: {  	[sflag:s5] =	ssyncadd.s32 @!p1 $0xFFFFF800  }
0x65: {  	[spmem:s16] =	stream.linear.scatter @!p1 [tilespmem:s6], [sflag:$0x5], $0x800, $0x38;
	[tilespmem:$0x1E000] =	vst v63  }
.Ltmp2:
0x66: {  	_ =	swait.ge @!p1 [sflag:s5], $0x800;
	(pc) =	sbr.rel .LBB2_2-.Ltmp2, $4  }
0x67: {  	[sflag:s5] =	ssyncset.done @!p1 $0x0  }
0x68: {  	s30 =	simm.s32 $0x13900;
	[sflag:s5] =	ssyncadd.s32 @!p1 $0xFFFFF800  }
0x69: {  	s20 =	smov.u32 s31;
	s5 =	simm.s32 $0x0;
	[bflag:$0x0] =	sbarrier.arrive $0xFFFF  }
0x6a: {  	[tilespmem:s23], [sflag:$0x1] =	stream.indirect.gather [spmem:s2], $0x80, s21, s28, $0xb8;
	[tilespmem:$0x1E000] =	vst v63  }
.LBB2_8:
0x6b: {  	_ =	swait.ge [sflag:s29], $0x4000  }
0x6c: {  	[sflag:s29] =	ssyncset.done $0x0  }
0x6d: {  	[sflag:s29] =	ssyncadd.s32 $0xFFFFC000  }
0x6e: {  	[tilespmem:s23], [sflag:$0x1] =	stream.indirect.gather [spmem:s2], $0x80, s30, s28, $0xb8;
	[tilespmem:$0x1E000] =	vst v63  }
0x6f: {  	_ =	swait.ge [sflag:s26], $0x4000  }
0x70: {  	[sflag:s26] =	ssyncset.done $0x0  }
0x71: {  	[sflag:s26] =	ssyncadd.s32 $0xFFFFC000  }
0x72: {  	[hbm4b:s20+s3] =	stream.linear.scatter [tilespmem:s25], [sflag:$0x4], $0x4000, $0x38;
	[tilespmem:$0x1E000] =	vst v63  }
.LBB2_9:
0x73: {  	s5 =	sadd.s32 $0x1, s5  }
0x74: {  	p2 =	sne.s32 s5, $0x4D  }
.Ltmp3:
0x75: {  	_ = 	snop;
	(pc) =	sbr.rel @!p2 .LBB2_10-.Ltmp3, $2  }
0x76: {  	_ =	sdelay $0x2  }
0x77: {  	s20 =	sadd.s32 $0x800, s20;
	s30 =	sadd.s32 $0x80, s30  }
.LBB2_2:
0x78: {  	s6 =	sand.u32 $0x1, s5  }
0x79: {  	p2 =	seq.s32 s6, $0x1  }
.Ltmp4:
0x7a: {  	_ = 	snop;
	(pc) =	sbr.rel @p2 .LBB2_8-.Ltmp4, $1  }
0x7b: {  	_ =	sdelay $0x3  }
0x7c: {  	p2 =	seq.s32 s5, $0x0  }
.Ltmp5:
0x7d: {  	_ = 	snop;
	(pc) =	sbr.rel @p2 .LBB2_6-.Ltmp5, $1  }
0x7e: {  	_ =	sdelay $0x3  }
0x7f: {  	p2 =	seq.s32 s5, $0x4D  }
.Ltmp6:
0x80: {  	_ = 	snop;
	(pc) =	sbr.rel @p2 .LBB2_7-.Ltmp6, $1  }
0x81: {  	_ =	sdelay $0x3  }
0x82: {  	_ =	swait.ge [sflag:s1], $0x4000  }
0x83: {  	[sflag:s1] =	ssyncset.done $0x0  }
0x84: {  	[sflag:s1] =	ssyncadd.s32 $0xFFFFC000  }
.LBB2_6:
0x85: {  	[tilespmem:s25], [sflag:$0x2] =	stream.indirect.gather [spmem:s2], $0x80, s30, s28, $0xb8;
	[tilespmem:$0x1E000] =	vst v63  }
.LBB2_7:
0x86: {  	p2 =	seq.s32 s6, $0x0  }
.Ltmp7:
0x87: {  	_ = 	snop;
	(pc) =	sbr.rel @p2 .LBB2_9-.Ltmp7, $4  }
.Ltmp8:
0x88: {  	_ =	swait.ge [sflag:s24], $0x4000;
	(pc) =	sbr.rel @!p2 .LBB2_8-.Ltmp8, $4  }
0x89: {  	[sflag:s24] =	ssyncset.done $0x0  }
0x8a: {  	[sflag:s24] =	ssyncadd.s32 $0xFFFFC000  }
0x8b: {  	[hbm4b:s20+s3] =	stream.linear.scatter [tilespmem:s23], [sflag:$0x3], $0x4000, $0x38;
	[tilespmem:$0x1E000] =	vst v63  }
0x8c: {  	_ = 	snop  }
.LBB2_11:
0x8d: {  	_ =	sfence.sel $0x180000  }
0x8e: {  	[bflag:$0x0] =	sbarrier.arrive $0xFFFF  }
0x8f: {  	_ =	strace $0x90000047  }
0x90: {  	s0 =	stileid.u32;
	[bflag:$0x2] =	sbarrier.arrive $0xFFFF  }
0x91: {  	p0 =	sne.s32 s0, $0x0;
	s0 =	rddreg [dreg:$0x4]  }
0x92: {  	s0 =	sadd.s32 @!p0 $0x100000, s0  }
0x93: {  	[sflag:s0] =	ssyncadd.tile.s32 @!p0 $0x1;
	_ =	shalt  }
.Lfunc_end2:
_tile_overlayer_lowered:
.L_overlay_start_2:
0x94: {  	(tag) =	ssettag $0x2  }
0x95: {  	s0 =	rddreg [dreg:$0x0];
	s2 =	stileid.u32  }
0x96: {  	s1 =	rddreg [dreg:$0x1];
	p0 =	sne.s32 s2, $0x0  }
0x97: {  	s3 =	rddreg [dreg:$0x2];
	[bflag:$0x3] =	sbarrier.arrive $0xFFFF;
	s2 =	simm.s32 @!p0 $0x1C05  }
0x98: {  	[timem:s3], [sflag:s2] =	dma.local @!p0 [hbm:s0], s1  }
0x99: {  	s0 =	simm.s32 @!p0 $0x5  }
0x9a: {  	_ =	swait.ge @!p0 [sflag:s0], s1  }
0x9b: {  	s1 =	ssub.s32 @!p0 $0x0, s1;
	[sflag:s0] =	ssyncset.done @!p0 $0x0  }
0x9c: {  	[sflag:s0] =	ssyncadd.s32 @!p0 s1  }
0x9d: {  	[bflag:$0x3] =	sbarrier.arrive $0xFFFF  }
0x9e: {  	_ =	shalt  }

</sc_bundles>
